<compile_context>
chip_gen: v7x
topology: tpu7x:2x2x1
jax: 0.10.2.dev20260603
libtpu: 0.0.44.dev20260713+nightly
codegen_flags: <defaults>
</compile_context>

<pallas_src>
import functools

import jax
import jax.numpy as jnp
from jax import lax
from jax.experimental import pallas as pl
from jax.experimental.pallas import tpu as pltpu
from jax.experimental.pallas import tpu_sc as plsc

B = 16384
L = 20
E = 32
NC = 2
NS = 16
NW = NC * NS
BPW = B // NW
CH = 32
NCH = BPW // CH
ROWS = CH * L
IG = 128
KSUB = ROWS // IG
TCH = 128
NTCH = BPW // TCH

_cached = {}


def _lane_shuffle(v, perm):
    dnums = lax.GatherDimensionNumbers(
        offset_dims=(), collapsed_slice_dims=(0,), start_index_map=(0,))
    return lax.gather(v, perm[:, None], dnums, (1,),
                      mode=lax.GatherScatterMode.PROMISE_IN_BOUNDS)


def _build_title():
    if "kt" in _cached:
        return _cached["kt"]

    mesh = plsc.VectorSubcoreMesh(core_axis_name="c", subcore_axis_name="s")

    @functools.partial(
        pl.kernel,
        mesh=mesh,
        out_type=jax.ShapeDtypeStruct((B, IG), jnp.float32),
        compiler_params=pltpu.CompilerParams(use_tc_tiling_on_sc=True),
        scratch_types=[
            pltpu.VMEM((BPW,), jnp.int32),
            pltpu.VMEM((TCH, E), jnp.float32),
            pltpu.VMEM((TCH, IG), jnp.float32),
            pltpu.SemaphoreType.DMA,
        ],
    )
    def title_sc(title_ids, tab, out, tidx_v, slots_v, outc_v, sem):
        wid = lax.axis_index("s") * NC + lax.axis_index("c")
        base = wid * BPW
        pltpu.sync_copy(title_ids.at[pl.ds(base, BPW)], tidx_v)

        def chunk_body(c, carry):
            def group_body(g, carry2):
                ids = tidx_v[pl.ds(c * TCH + g * 16, 16)]
                copies = []
                idjs = []
                for j in range(16):
                    idj = ids[j]
                    idjs.append(idj)
                    t8 = pl.multiple_of(
                        jnp.bitwise_and(idj, jnp.int32(~7)), 8)
                    copies.append(pltpu.async_copy(
                        tab.at[pl.ds(t8, 8), :],
                        slots_v.at[pl.ds(j * 8, 8), :], sem))
                for cp in copies:
                    cp.wait()
                for j in range(16):
                    srow = j * 8 + jnp.bitwise_and(idjs[j], 7)
                    rowp = g * 16 + j
                    outc_v[rowp, pl.ds(0, 16)] = slots_v[srow, pl.ds(0, 16)]
                    outc_v[rowp, pl.ds(16, 16)] = slots_v[srow, pl.ds(16, 16)]
                return carry2

            lax.fori_loop(0, TCH // 16, group_body, 0)
            pltpu.sync_copy(outc_v, out.at[pl.ds(base + c * TCH, TCH)])
            return carry

        lax.fori_loop(0, NTCH, chunk_body, 0)

    _cached["kt"] = title_sc
    return title_sc


def _build_tok():
    if "kk" in _cached:
        return _cached["kk"]

    mesh = plsc.VectorSubcoreMesh(core_axis_name="c", subcore_axis_name="s")

    @functools.partial(
        pl.kernel,
        mesh=mesh,
        out_type=jax.ShapeDtypeStruct((B, E), jnp.float32),
        compiler_params=pltpu.CompilerParams(use_tc_tiling_on_sc=False),
        scratch_types=[
            pltpu.VMEM((ROWS + 32,), jnp.int32),
            pltpu.VMEM((ROWS, E), jnp.float32),
            pltpu.VMEM((BPW, E), jnp.float32),
            pltpu.VMEM((1, E), jnp.float32),
            pltpu.SemaphoreType.DMA,
        ],
    )
    def tok_sc(tok_flat, token_tab, out, cflat_v, rows_v, out_v, row0_v, sem):
        wid = lax.axis_index("s") * NC + lax.axis_index("c")
        base = wid * BPW
        pltpu.sync_copy(token_tab.at[pl.ds(0, 1)], row0_v)
        lanes = lax.iota(jnp.int32, 16)
        tailm = lanes < (L - 16)
        perms = [jnp.bitwise_xor(lanes, sh) for sh in (1, 2, 4, 8)]

        def chunk_body(c, carry):
            pltpu.sync_copy(tok_flat.at[pl.ds(base * L + c * ROWS, ROWS)],
                            cflat_v.at[pl.ds(0, ROWS)])
            r_copies = [
                pltpu.async_copy(
                    token_tab.at[cflat_v.at[pl.ds(k * IG, IG)]],
                    rows_v.at[pl.ds(k * IG, IG)], sem)
                for k in range(KSUB)
            ]
            for cp in r_copies:
                cp.wait()
            r0a = row0_v[0, pl.ds(0, 16)]
            r0b = row0_v[0, pl.ds(16, 16)]

            def title_body(b, carry2):
                r = b * L
                s0 = rows_v[r, pl.ds(0, 16)]
                s1 = rows_v[r, pl.ds(16, 16)]
                for l in range(1, L):
                    s0 = s0 + rows_v[r + l, pl.ds(0, 16)]
                    s1 = s1 + rows_v[r + l, pl.ds(16, 16)]
                one_v = jnp.full((16,), 1.0, jnp.float32)
                zero_v = jnp.full((16,), 0.0, jnp.float32)
                m0 = cflat_v[pl.ds(r, 16)] != 0
                m1 = (cflat_v[pl.ds(r + 16, 16)] != 0) & tailm
                nf = (jnp.where(m0, one_v, zero_v)
                      + jnp.where(m1, one_v, zero_v))
                for p in perms:
                    nf = nf + _lane_shuffle(nf, p)
                pad = jnp.float32(L) - nf
                den = jnp.maximum(nf, 1.0)
                row = c * CH + b
                out_v[row, pl.ds(0, 16)] = (s0 - pad * r0a) / den
                out_v[row, pl.ds(16, 16)] = (s1 - pad * r0b) / den
                return carry2

            return lax.fori_loop(0, CH, title_body, carry)

        lax.fori_loop(0, NCH, chunk_body, 0)
        pltpu.sync_copy(out_v, out.at[pl.ds(base, BPW)])

    _cached["kk"] = tok_sc
    return tok_sc


def kernel(title_ids, token_ids, title_table, token_table):
    title1d = title_ids.astype(jnp.int32).reshape(B)
    tok_flat = token_ids.astype(jnp.int32).reshape(B * L)
    e1 = _build_title()(title1d, title_table)[:, :E]
    e2 = _build_tok()(tok_flat, token_table)
    return jnp.concatenate([e1, e2], axis=1)

# --- scband reference (transcript-rebuilt; emitter-appended) ---
"""Pipeline reference for scband-movie-model-13469017440477 (READ-ONLY COPY).

The authoritative reference and input builder live on the scoring server;
editing this copy changes nothing except your own understanding.
"""

import jax, jax.numpy as jnp
import numpy as np

VOCAB = 1000000          # len(movie_titles)
MAX_TOKENS = 10000       # TextVectorization max_tokens
EMBED = 32
B = 16384                # batch of titles
L = 20                   # tokenized title length


def setup_inputs(seed: int = 0) -> dict:
    key = jax.random.key(seed)
    k1, k2, k3, k4 = jax.random.split(key, 4)
    # StringLookup output: integer id per title in [0, VOCAB] (0 = OOV, table has VOCAB+1 rows)
    title_ids = jax.random.randint(k1, (B,), 0, VOCAB + 1)
    # TextVectorization output: padded token ids in [0, MAX_TOKENS); 0 = pad/mask
    token_ids = jax.random.randint(k2, (B, L), 0, MAX_TOKENS)
    # Learned embedding tables
    title_table = jax.random.normal(k3, (VOCAB + 1, EMBED), dtype=jnp.float32) * 0.05
    token_table = jax.random.normal(k4, (MAX_TOKENS, EMBED), dtype=jnp.float32) * 0.05
    return {
        "title_ids": title_ids,
        "token_ids": token_ids,
        "title_table": title_table,
        "token_table": token_table,
    }


def reference(title_ids, token_ids, title_table, token_table):
    # Branch 1: StringLookup -> Embedding  (whole-title id embedding)
    e1 = jnp.take(title_table, title_ids, axis=0)            # [B, 32]
    # Branch 2: TextVectorization -> Embedding(mask_zero=True) -> GlobalAveragePooling1D
    tok = jnp.take(token_table, token_ids, axis=0)           # [B, L, 32]
    mask = (token_ids != 0).astype(tok.dtype)                # mask_zero semantics
    summed = jnp.sum(tok * mask[..., None], axis=1)          # [B, 32]
    denom = jnp.maximum(jnp.sum(mask, axis=1, keepdims=True), 1.0)
    e2 = summed / denom                                      # masked mean pooling
    # tf.concat([...], axis=1)
    return jnp.concatenate([e1, e2], axis=1)                 # [B, 64]

if __name__ == "__main__":
    import jax
    _d = setup_inputs()
    print(jax.jit(kernel)(*tuple(_d.values())))

</pallas_src>

<mosaic_0001>
#map = affine_map<(d0, d1) -> (0)>
#map1 = affine_map<(d0, d1) -> (0, 0)>
module attributes {stable_mosaic.version = 14 : i64} {
  func.func @tok_sc(%arg0: i32, %arg1: i32, %arg2: memref<327680xi32, #tpu.memory_space<hbm>>, %arg3: memref<10000x32xf32, #tpu.memory_space<hbm>>, %arg4: memref<16384x32xf32, #tpu.memory_space<hbm>>, %arg5: memref<672xi32, #tpu.memory_space<vmem>>, %arg6: memref<640x32xf32, #tpu.memory_space<vmem>>, %arg7: memref<512x32xf32, #tpu.memory_space<vmem>>, %arg8: memref<1x32xf32, #tpu.memory_space<vmem>>, %arg9: memref<!tpu.dma_semaphore, #tpu.memory_space<semaphore_mem>>) attributes {dimension_semantics = [#tpu.dimension_semantics<core_parallel>, #tpu.dimension_semantics<subcore_parallel>], iteration_bounds = array<i64: 2, 16>, scalar_prefetch = 0 : i64, scratch_operands = 5 : i64, tpu.core_type = #tpu.core_type<sc_vector_subcore>, window_params = [{transform_indices = #map}, {transform_indices = #map1}, {transform_indices = #map1}]} {
    %mul3A = arith.constant 2 : i32
    %mul3A_0 = arith.muli %arg1, %mul3A : i32
    %add3A = arith.addi %mul3A_0, %arg0 : i32
    %mul3A_1 = arith.constant 512 : i32
    %mul3A_2 = arith.muli %add3A, %mul3A_1 : i32
    "tpu.region"() ({
      %run_scoped3A = tpu.sem_alloc : memref<!tpu.dma_semaphore, #tpu.memory_space<semaphore_mem>>
      %dma_start3A = arith.constant 0 : i32
      %dma_start3A_21 = arith.constant 0 : i32
      %dma_start3A_22 = tpu.memref_slice %arg3[%dma_start3A, %dma_start3A_21] : memref<10000x32xf32, #tpu.memory_space<hbm>> -> memref<1x32xf32, #tpu.memory_space<hbm>>
      %dma_start3A_23 = arith.constant 0 : i32
      %dma_start3A_24 = arith.constant 0 : i32
      %dma_start3A_25 = tpu.memref_slice %arg3[%dma_start3A_23, %dma_start3A_24] : memref<10000x32xf32, #tpu.memory_space<hbm>> -> memref<1x32xf32, #tpu.memory_space<hbm>>
      tpu.enqueue_dma source(%dma_start3A_25 : memref<1x32xf32, #tpu.memory_space<hbm>>) target(%arg8 : memref<1x32xf32, #tpu.memory_space<vmem>>) target_semaphore(%run_scoped3A : memref<!tpu.dma_semaphore, #tpu.memory_space<semaphore_mem>>)
      %dma_wait3A = arith.constant 0 : i32
      %dma_wait3A_26 = arith.constant 0 : i32
      %dma_wait3A_27 = tpu.memref_slice %arg3[%dma_wait3A, %dma_wait3A_26] : memref<10000x32xf32, #tpu.memory_space<hbm>> -> memref<1x32xf32, #tpu.memory_space<hbm>>
      %dma_wait3A_28 = arith.constant 0 : i32
      %dma_wait3A_29 = arith.constant 0 : i32
      %dma_wait3A_30 = tpu.memref_slice %arg3[%dma_wait3A_28, %dma_wait3A_29] : memref<10000x32xf32, #tpu.memory_space<hbm>> -> memref<1x32xf32, #tpu.memory_space<hbm>>
      tpu.wait_dma2 semaphore(%run_scoped3A : memref<!tpu.dma_semaphore, #tpu.memory_space<semaphore_mem>>) src(%dma_wait3A_30 : memref<1x32xf32, #tpu.memory_space<hbm>>) dst(%arg8 : memref<1x32xf32, #tpu.memory_space<vmem>>)
      tpu.yield
    }) : () -> ()
    %iota3A = tpu.iota {dimensions = array<i32: 0>} : vector<16xi32>
    %lt3A = arith.constant 4 : i32
    %lt3A_3 = vector.broadcast %lt3A : i32 to vector<16xi32>
    %lt3A_4 = arith.cmpi slt, %iota3A, %lt3A_3 : vector<16xi32>
    %xor3A = arith.constant 1 : i32
    %xor3A_5 = vector.broadcast %xor3A : i32 to vector<16xi32>
    %xor3A_6 = arith.xori %iota3A, %xor3A_5 : vector<16xi32>
    %xor3A_7 = arith.constant 2 : i32
    %xor3A_8 = vector.broadcast %xor3A_7 : i32 to vector<16xi32>
    %xor3A_9 = arith.xori %iota3A, %xor3A_8 : vector<16xi32>
    %xor3A_10 = arith.constant 4 : i32
    %xor3A_11 = vector.broadcast %xor3A_10 : i32 to vector<16xi32>
    %xor3A_12 = arith.xori %iota3A, %xor3A_11 : vector<16xi32>
    %xor3A_13 = arith.constant 8 : i32
    %xor3A_14 = vector.broadcast %xor3A_13 : i32 to vector<16xi32>
    %xor3A_15 = arith.xori %iota3A, %xor3A_14 : vector<16xi32>
    %scan3A = arith.constant 0 : i32
    %scan3A_16 = arith.constant 0 : i32
    %scan3A_17 = arith.constant 16 : i32
    %scan3A_18 = arith.addi %scan3A_16, %scan3A_17 : i32
    %scan3A_19 = arith.constant 1 : i32
    scf.for %scan3A_21 = %scan3A_16 to %scan3A_18 step %scan3A_19  : i32 {
      %mul3A_22 = arith.constant 20 : i32
      %mul3A_23 = arith.muli %mul3A_2, %mul3A_22 : i32
      %mul3A_24 = arith.constant 640 : i32
      %mul3A_25 = arith.muli %scan3A_21, %mul3A_24 : i32
      %add3A_26 = arith.addi %mul3A_23, %mul3A_25 : i32
      "tpu.region"() ({
        %run_scoped3A = tpu.sem_alloc : memref<!tpu.dma_semaphore, #tpu.memory_space<semaphore_mem>>
        %dma_start3A_119 = arith.constant 0 : i32
        %dma_start3A_120 = tpu.memref_slice %arg5[%dma_start3A_119] : memref<672xi32, #tpu.memory_space<vmem>> -> memref<640xi32, #tpu.memory_space<vmem>>
        %dma_start3A_121 = tpu.memref_slice %arg2[%add3A_26] : memref<327680xi32, #tpu.memory_space<hbm>> -> memref<640xi32, #tpu.memory_space<hbm>>
        %dma_start3A_122 = arith.constant 0 : i32
        %dma_start3A_123 = tpu.memref_slice %arg5[%dma_start3A_122] : memref<672xi32, #tpu.memory_space<vmem>> -> memref<640xi32, #tpu.memory_space<vmem>>
        %dma_start3A_124 = tpu.memref_slice %arg2[%add3A_26] : memref<327680xi32, #tpu.memory_space<hbm>> -> memref<640xi32, #tpu.memory_space<hbm>>
        tpu.enqueue_dma source(%dma_start3A_124 : memref<640xi32, #tpu.memory_space<hbm>>) target(%dma_start3A_123 : memref<640xi32, #tpu.memory_space<vmem>>) target_semaphore(%run_scoped3A : memref<!tpu.dma_semaphore, #tpu.memory_space<semaphore_mem>>)
        %dma_wait3A_125 = arith.constant 0 : i32
        %dma_wait3A_126 = tpu.memref_slice %arg5[%dma_wait3A_125] : memref<672xi32, #tpu.memory_space<vmem>> -> memref<640xi32, #tpu.memory_space<vmem>>
        %dma_wait3A_127 = tpu.memref_slice %arg2[%add3A_26] : memref<327680xi32, #tpu.memory_space<hbm>> -> memref<640xi32, #tpu.memory_space<hbm>>
        %dma_wait3A_128 = arith.constant 0 : i32
        %dma_wait3A_129 = tpu.memref_slice %arg5[%dma_wait3A_128] : memref<672xi32, #tpu.memory_space<vmem>> -> memref<640xi32, #tpu.memory_space<vmem>>
        %dma_wait3A_130 = tpu.memref_slice %arg2[%add3A_26] : memref<327680xi32, #tpu.memory_space<hbm>> -> memref<640xi32, #tpu.memory_space<hbm>>
        tpu.wait_dma2 semaphore(%run_scoped3A : memref<!tpu.dma_semaphore, #tpu.memory_space<semaphore_mem>>) src(%dma_wait3A_130 : memref<640xi32, #tpu.memory_space<hbm>>) dst(%dma_wait3A_129 : memref<640xi32, #tpu.memory_space<vmem>>)
        tpu.yield
      }) : () -> ()
      %dma_start3A = arith.constant 0 : i32
      %dma_start3A_27 = arith.constant 0 : i32
      %dma_start3A_28 = tpu.memref_slice %arg6[%dma_start3A, %dma_start3A_27] : memref<640x32xf32, #tpu.memory_space<vmem>> -> memref<128x32xf32, #tpu.memory_space<vmem>>
      %dma_start3A_29 = arith.constant 0 : i32
      %dma_start3A_30 = tpu.memref_slice %arg5[%dma_start3A_29] : memref<672xi32, #tpu.memory_space<vmem>> -> memref<128xi32, #tpu.memory_space<vmem>>
      %dma_start3A_31 = arith.constant 0 : i32
      %dma_start3A_32 = arith.constant 0 : i32
      %dma_start3A_33 = tpu.memref_slice %arg3[%dma_start3A_31, %dma_start3A_32] : memref<10000x32xf32, #tpu.memory_space<hbm>> -> memref<10000x32xf32, #tpu.memory_space<hbm>>
      tpu.enqueue_indirect_dma source(%dma_start3A_33 : memref<10000x32xf32, #tpu.memory_space<hbm>>) target(%dma_start3A_28 : memref<128x32xf32, #tpu.memory_space<vmem>>) offsets(%dma_start3A_30 : memref<128xi32, #tpu.memory_space<vmem>>) semaphore(%arg9 : memref<!tpu.dma_semaphore, #tpu.memory_space<semaphore_mem>>)
      %dma_start3A_34 = arith.constant 128 : i32
      %dma_start3A_35 = arith.constant 0 : i32
      %dma_start3A_36 = tpu.memref_slice %arg6[%dma_start3A_34, %dma_start3A_35] : memref<640x32xf32, #tpu.memory_space<vmem>> -> memref<128x32xf32, #tpu.memory_space<vmem>>
      %dma_start3A_37 = arith.constant 128 : i32
      %dma_start3A_38 = tpu.memref_slice %arg5[%dma_start3A_37] : memref<672xi32, #tpu.memory_space<vmem>> -> memref<128xi32, #tpu.memory_space<vmem>>
      %dma_start3A_39 = arith.constant 0 : i32
      %dma_start3A_40 = arith.constant 0 : i32
      %dma_start3A_41 = tpu.memref_slice %arg3[%dma_start3A_39, %dma_start3A_40] : memref<10000x32xf32, #tpu.memory_space<hbm>> -> memref<10000x32xf32, #tpu.memory_space<hbm>>
      tpu.enqueue_indirect_dma source(%dma_start3A_41 : memref<10000x32xf32, #tpu.memory_space<hbm>>) target(%dma_start3A_36 : memref<128x32xf32, #tpu.memory_space<vmem>>) offsets(%dma_start3A_38 : memref<128xi32, #tpu.memory_space<vmem>>) semaphore(%arg9 : memref<!tpu.dma_semaphore, #tpu.memory_space<semaphore_mem>>)
      %dma_start3A_42 = arith.constant 256 : i32
      %dma_start3A_43 = arith.constant 0 : i32
      %dma_start3A_44 = tpu.memref_slice %arg6[%dma_start3A_42, %dma_start3A_43] : memref<640x32xf32, #tpu.memory_space<vmem>> -> memref<128x32xf32, #tpu.memory_space<vmem>>
      %dma_start3A_45 = arith.constant 256 : i32
      %dma_start3A_46 = tpu.memref_slice %arg5[%dma_start3A_45] : memref<672xi32, #tpu.memory_space<vmem>> -> memref<128xi32, #tpu.memory_space<vmem>>
      %dma_start3A_47 = arith.constant 0 : i32
      %dma_start3A_48 = arith.constant 0 : i32
      %dma_start3A_49 = tpu.memref_slice %arg3[%dma_start3A_47, %dma_start3A_48] : memref<10000x32xf32, #tpu.memory_space<hbm>> -> memref<10000x32xf32, #tpu.memory_space<hbm>>
      tpu.enqueue_indirect_dma source(%dma_start3A_49 : memref<10000x32xf32, #tpu.memory_space<hbm>>) target(%dma_start3A_44 : memref<128x32xf32, #tpu.memory_space<vmem>>) offsets(%dma_start3A_46 : memref<128xi32, #tpu.memory_space<vmem>>) semaphore(%arg9 : memref<!tpu.dma_semaphore, #tpu.memory_space<semaphore_mem>>)
      %dma_start3A_50 = arith.constant 384 : i32
      %dma_start3A_51 = arith.constant 0 : i32
      %dma_start3A_52 = tpu.memref_slice %arg6[%dma_start3A_50, %dma_start3A_51] : memref<640x32xf32, #tpu.memory_space<vmem>> -> memref<128x32xf32, #tpu.memory_space<vmem>>
      %dma_start3A_53 = arith.constant 384 : i32
      %dma_start3A_54 = tpu.memref_slice %arg5[%dma_start3A_53] : memref<672xi32, #tpu.memory_space<vmem>> -> memref<128xi32, #tpu.memory_space<vmem>>
      %dma_start3A_55 = arith.constant 0 : i32
      %dma_start3A_56 = arith.constant 0 : i32
      %dma_start3A_57 = tpu.memref_slice %arg3[%dma_start3A_55, %dma_start3A_56] : memref<10000x32xf32, #tpu.memory_space<hbm>> -> memref<10000x32xf32, #tpu.memory_space<hbm>>
      tpu.enqueue_indirect_dma source(%dma_start3A_57 : memref<10000x32xf32, #tpu.memory_space<hbm>>) target(%dma_start3A_52 : memref<128x32xf32, #tpu.memory_space<vmem>>) offsets(%dma_start3A_54 : memref<128xi32, #tpu.memory_space<vmem>>) semaphore(%arg9 : memref<!tpu.dma_semaphore, #tpu.memory_space<semaphore_mem>>)
      %dma_start3A_58 = arith.constant 512 : i32
      %dma_start3A_59 = arith.constant 0 : i32
      %dma_start3A_60 = tpu.memref_slice %arg6[%dma_start3A_58, %dma_start3A_59] : memref<640x32xf32, #tpu.memory_space<vmem>> -> memref<128x32xf32, #tpu.memory_space<vmem>>
      %dma_start3A_61 = arith.constant 512 : i32
      %dma_start3A_62 = tpu.memref_slice %arg5[%dma_start3A_61] : memref<672xi32, #tpu.memory_space<vmem>> -> memref<128xi32, #tpu.memory_space<vmem>>
      %dma_start3A_63 = arith.constant 0 : i32
      %dma_start3A_64 = arith.constant 0 : i32
      %dma_start3A_65 = tpu.memref_slice %arg3[%dma_start3A_63, %dma_start3A_64] : memref<10000x32xf32, #tpu.memory_space<hbm>> -> memref<10000x32xf32, #tpu.memory_space<hbm>>
      tpu.enqueue_indirect_dma source(%dma_start3A_65 : memref<10000x32xf32, #tpu.memory_space<hbm>>) target(%dma_start3A_60 : memref<128x32xf32, #tpu.memory_space<vmem>>) offsets(%dma_start3A_62 : memref<128xi32, #tpu.memory_space<vmem>>) semaphore(%arg9 : memref<!tpu.dma_semaphore, #tpu.memory_space<semaphore_mem>>)
      %dma_wait3A = arith.constant 0 : i32
      %dma_wait3A_66 = arith.constant 0 : i32
      %dma_wait3A_67 = tpu.memref_slice %arg6[%dma_wait3A, %dma_wait3A_66] : memref<640x32xf32, #tpu.memory_space<vmem>> -> memref<128x32xf32, #tpu.memory_space<vmem>>
      %dma_wait3A_68 = arith.constant 0 : i32
      %dma_wait3A_69 = tpu.memref_slice %arg5[%dma_wait3A_68] : memref<672xi32, #tpu.memory_space<vmem>> -> memref<128xi32, #tpu.memory_space<vmem>>
      %dma_wait3A_70 = arith.constant 0 : i32
      %dma_wait3A_71 = arith.constant 0 : i32
      %dma_wait3A_72 = tpu.memref_slice %arg3[%dma_wait3A_70, %dma_wait3A_71] : memref<10000x32xf32, #tpu.memory_space<hbm>> -> memref<10000x32xf32, #tpu.memory_space<hbm>>
      tpu.wait_indirect_dma semaphore(%arg9 : memref<!tpu.dma_semaphore, #tpu.memory_space<semaphore_mem>>) src(%dma_wait3A_72 : memref<10000x32xf32, #tpu.memory_space<hbm>>) dst(%dma_wait3A_67 : memref<128x32xf32, #tpu.memory_space<vmem>>)
      %dma_wait3A_73 = arith.constant 128 : i32
      %dma_wait3A_74 = arith.constant 0 : i32
      %dma_wait3A_75 = tpu.memref_slice %arg6[%dma_wait3A_73, %dma_wait3A_74] : memref<640x32xf32, #tpu.memory_space<vmem>> -> memref<128x32xf32, #tpu.memory_space<vmem>>
      %dma_wait3A_76 = arith.constant 128 : i32
      %dma_wait3A_77 = tpu.memref_slice %arg5[%dma_wait3A_76] : memref<672xi32, #tpu.memory_space<vmem>> -> memref<128xi32, #tpu.memory_space<vmem>>
      %dma_wait3A_78 = arith.constant 0 : i32
      %dma_wait3A_79 = arith.constant 0 : i32
      %dma_wait3A_80 = tpu.memref_slice %arg3[%dma_wait3A_78, %dma_wait3A_79] : memref<10000x32xf32, #tpu.memory_space<hbm>> -> memref<10000x32xf32, #tpu.memory_space<hbm>>
      tpu.wait_indirect_dma semaphore(%arg9 : memref<!tpu.dma_semaphore, #tpu.memory_space<semaphore_mem>>) src(%dma_wait3A_80 : memref<10000x32xf32, #tpu.memory_space<hbm>>) dst(%dma_wait3A_75 : memref<128x32xf32, #tpu.memory_space<vmem>>)
      %dma_wait3A_81 = arith.constant 256 : i32
      %dma_wait3A_82 = arith.constant 0 : i32
      %dma_wait3A_83 = tpu.memref_slice %arg6[%dma_wait3A_81, %dma_wait3A_82] : memref<640x32xf32, #tpu.memory_space<vmem>> -> memref<128x32xf32, #tpu.memory_space<vmem>>
      %dma_wait3A_84 = arith.constant 256 : i32
      %dma_wait3A_85 = tpu.memref_slice %arg5[%dma_wait3A_84] : memref<672xi32, #tpu.memory_space<vmem>> -> memref<128xi32, #tpu.memory_space<vmem>>
      %dma_wait3A_86 = arith.constant 0 : i32
      %dma_wait3A_87 = arith.constant 0 : i32
      %dma_wait3A_88 = tpu.memref_slice %arg3[%dma_wait3A_86, %dma_wait3A_87] : memref<10000x32xf32, #tpu.memory_space<hbm>> -> memref<10000x32xf32, #tpu.memory_space<hbm>>
      tpu.wait_indirect_dma semaphore(%arg9 : memref<!tpu.dma_semaphore, #tpu.memory_space<semaphore_mem>>) src(%dma_wait3A_88 : memref<10000x32xf32, #tpu.memory_space<hbm>>) dst(%dma_wait3A_83 : memref<128x32xf32, #tpu.memory_space<vmem>>)
      %dma_wait3A_89 = arith.constant 384 : i32
      %dma_wait3A_90 = arith.constant 0 : i32
      %dma_wait3A_91 = tpu.memref_slice %arg6[%dma_wait3A_89, %dma_wait3A_90] : memref<640x32xf32, #tpu.memory_space<vmem>> -> memref<128x32xf32, #tpu.memory_space<vmem>>
      %dma_wait3A_92 = arith.constant 384 : i32
      %dma_wait3A_93 = tpu.memref_slice %arg5[%dma_wait3A_92] : memref<672xi32, #tpu.memory_space<vmem>> -> memref<128xi32, #tpu.memory_space<vmem>>
      %dma_wait3A_94 = arith.constant 0 : i32
      %dma_wait3A_95 = arith.constant 0 : i32
      %dma_wait3A_96 = tpu.memref_slice %arg3[%dma_wait3A_94, %dma_wait3A_95] : memref<10000x32xf32, #tpu.memory_space<hbm>> -> memref<10000x32xf32, #tpu.memory_space<hbm>>
      tpu.wait_indirect_dma semaphore(%arg9 : memref<!tpu.dma_semaphore, #tpu.memory_space<semaphore_mem>>) src(%dma_wait3A_96 : memref<10000x32xf32, #tpu.memory_space<hbm>>) dst(%dma_wait3A_91 : memref<128x32xf32, #tpu.memory_space<vmem>>)
      %dma_wait3A_97 = arith.constant 512 : i32
      %dma_wait3A_98 = arith.constant 0 : i32
      %dma_wait3A_99 = tpu.memref_slice %arg6[%dma_wait3A_97, %dma_wait3A_98] : memref<640x32xf32, #tpu.memory_space<vmem>> -> memref<128x32xf32, #tpu.memory_space<vmem>>
      %dma_wait3A_100 = arith.constant 512 : i32
      %dma_wait3A_101 = tpu.memref_slice %arg5[%dma_wait3A_100] : memref<672xi32, #tpu.memory_space<vmem>> -> memref<128xi32, #tpu.memory_space<vmem>>
      %dma_wait3A_102 = arith.constant 0 : i32
      %dma_wait3A_103 = arith.constant 0 : i32
      %dma_wait3A_104 = tpu.memref_slice %arg3[%dma_wait3A_102, %dma_wait3A_103] : memref<10000x32xf32, #tpu.memory_space<hbm>> -> memref<10000x32xf32, #tpu.memory_space<hbm>>
      tpu.wait_indirect_dma semaphore(%arg9 : memref<!tpu.dma_semaphore, #tpu.memory_space<semaphore_mem>>) src(%dma_wait3A_104 : memref<10000x32xf32, #tpu.memory_space<hbm>>) dst(%dma_wait3A_99 : memref<128x32xf32, #tpu.memory_space<vmem>>)
      %get3A = arith.constant 0 : i32
      %get3A_105 = arith.index_cast %get3A : i32 to index
      %get3A_106 = arith.constant 0 : index
      %get3A_107 = tpu.vector_load %arg8[%get3A_105, %get3A_106] {strides = array<i32>} : memref<1x32xf32, #tpu.memory_space<vmem>>, vector<1x16xf32>,
      %get3A_108 = vector.shape_cast %get3A_107 : vector<1x16xf32> to vector<16xf32>
      %get3A_109 = arith.constant 0 : i32
      %get3A_110 = arith.index_cast %get3A_109 : i32 to index
      %get3A_111 = arith.constant 16 : index
      %get3A_112 = tpu.vector_load %arg8[%get3A_110, %get3A_111] {strides = array<i32>} : memref<1x32xf32, #tpu.memory_space<vmem>>, vector<1x16xf32>,
      %get3A_113 = vector.shape_cast %get3A_112 : vector<1x16xf32> to vector<16xf32>
      %scan3A_114 = arith.constant 0 : i32
      %scan3A_115 = arith.constant 32 : i32
      %scan3A_116 = arith.addi %scan3A_114, %scan3A_115 : i32
      %scan3A_117 = arith.constant 1 : i32
      scf.for %scan3A_119 = %scan3A_114 to %scan3A_116 step %scan3A_117  : i32 {
        %mul3A_120 = arith.constant 20 : i32
        %mul3A_121 = arith.muli %scan3A_119, %mul3A_120 : i32
        %get3A_122 = arith.index_cast %mul3A_121 : i32 to index
        %get3A_123 = arith.constant 0 : index
        %get3A_124 = tpu.vector_load %arg6[%get3A_122, %get3A_123] {strides = array<i32>} : memref<640x32xf32, #tpu.memory_space<vmem>>, vector<1x16xf32>,
        %get3A_125 = vector.shape_cast %get3A_124 : vector<1x16xf32> to vector<16xf32>
        %get3A_126 = arith.index_cast %mul3A_121 : i32 to index
        %get3A_127 = arith.constant 16 : index
        %get3A_128 = tpu.vector_load %arg6[%get3A_126, %get3A_127] {strides = array<i32>} : memref<640x32xf32, #tpu.memory_space<vmem>>, vector<1x16xf32>,
        %get3A_129 = vector.shape_cast %get3A_128 : vector<1x16xf32> to vector<16xf32>
        %add3A_130 = arith.constant 1 : i32
        %add3A_131 = arith.addi %mul3A_121, %add3A_130 : i32
        %get3A_132 = arith.index_cast %add3A_131 : i32 to index
        %get3A_133 = arith.constant 0 : index
        %get3A_134 = tpu.vector_load %arg6[%get3A_132, %get3A_133] {strides = array<i32>} : memref<640x32xf32, #tpu.memory_space<vmem>>, vector<1x16xf32>,
        %get3A_135 = vector.shape_cast %get3A_134 : vector<1x16xf32> to vector<16xf32>
        %add3A_136 = arith.addf %get3A_125, %get3A_135 : vector<16xf32>
        %add3A_137 = arith.constant 1 : i32
        %add3A_138 = arith.addi %mul3A_121, %add3A_137 : i32
        %get3A_139 = arith.index_cast %add3A_138 : i32 to index
        %get3A_140 = arith.constant 16 : index
        %get3A_141 = tpu.vector_load %arg6[%get3A_139, %get3A_140] {strides = array<i32>} : memref<640x32xf32, #tpu.memory_space<vmem>>, vector<1x16xf32>,
        %get3A_142 = vector.shape_cast %get3A_141 : vector<1x16xf32> to vector<16xf32>
        %add3A_143 = arith.addf %get3A_129, %get3A_142 : vector<16xf32>
        %add3A_144 = arith.constant 2 : i32
        %add3A_145 = arith.addi %mul3A_121, %add3A_144 : i32
        %get3A_146 = arith.index_cast %add3A_145 : i32 to index
        %get3A_147 = arith.constant 0 : index
        %get3A_148 = tpu.vector_load %arg6[%get3A_146, %get3A_147] {strides = array<i32>} : memref<640x32xf32, #tpu.memory_space<vmem>>, vector<1x16xf32>,
        %get3A_149 = vector.shape_cast %get3A_148 : vector<1x16xf32> to vector<16xf32>
        %add3A_150 = arith.addf %add3A_136, %get3A_149 : vector<16xf32>
        %add3A_151 = arith.constant 2 : i32
        %add3A_152 = arith.addi %mul3A_121, %add3A_151 : i32
        %get3A_153 = arith.index_cast %add3A_152 : i32 to index
        %get3A_154 = arith.constant 16 : index
        %get3A_155 = tpu.vector_load %arg6[%get3A_153, %get3A_154] {strides = array<i32>} : memref<640x32xf32, #tpu.memory_space<vmem>>, vector<1x16xf32>,
        %get3A_156 = vector.shape_cast %get3A_155 : vector<1x16xf32> to vector<16xf32>
        %add3A_157 = arith.addf %add3A_143, %get3A_156 : vector<16xf32>
        %add3A_158 = arith.constant 3 : i32
        %add3A_159 = arith.addi %mul3A_121, %add3A_158 : i32
        %get3A_160 = arith.index_cast %add3A_159 : i32 to index
        %get3A_161 = arith.constant 0 : index
        %get3A_162 = tpu.vector_load %arg6[%get3A_160, %get3A_161] {strides = array<i32>} : memref<640x32xf32, #tpu.memory_space<vmem>>, vector<1x16xf32>,
        %get3A_163 = vector.shape_cast %get3A_162 : vector<1x16xf32> to vector<16xf32>
        %add3A_164 = arith.addf %add3A_150, %get3A_163 : vector<16xf32>
        %add3A_165 = arith.constant 3 : i32
        %add3A_166 = arith.addi %mul3A_121, %add3A_165 : i32
        %get3A_167 = arith.index_cast %add3A_166 : i32 to index
        %get3A_168 = arith.constant 16 : index
        %get3A_169 = tpu.vector_load %arg6[%get3A_167, %get3A_168] {strides = array<i32>} : memref<640x32xf32, #tpu.memory_space<vmem>>, vector<1x16xf32>,
        %get3A_170 = vector.shape_cast %get3A_169 : vector<1x16xf32> to vector<16xf32>
        %add3A_171 = arith.addf %add3A_157, %get3A_170 : vector<16xf32>
        %add3A_172 = arith.constant 4 : i32
        %add3A_173 = arith.addi %mul3A_121, %add3A_172 : i32
        %get3A_174 = arith.index_cast %add3A_173 : i32 to index
        %get3A_175 = arith.constant 0 : index
        %get3A_176 = tpu.vector_load %arg6[%get3A_174, %get3A_175] {strides = array<i32>} : memref<640x32xf32, #tpu.memory_space<vmem>>, vector<1x16xf32>,
        %get3A_177 = vector.shape_cast %get3A_176 : vector<1x16xf32> to vector<16xf32>
        %add3A_178 = arith.addf %add3A_164, %get3A_177 : vector<16xf32>
        %add3A_179 = arith.constant 4 : i32
        %add3A_180 = arith.addi %mul3A_121, %add3A_179 : i32
        %get3A_181 = arith.index_cast %add3A_180 : i32 to index
        %get3A_182 = arith.constant 16 : index
        %get3A_183 = tpu.vector_load %arg6[%get3A_181, %get3A_182] {strides = array<i32>} : memref<640x32xf32, #tpu.memory_space<vmem>>, vector<1x16xf32>,
        %get3A_184 = vector.shape_cast %get3A_183 : vector<1x16xf32> to vector<16xf32>
        %add3A_185 = arith.addf %add3A_171, %get3A_184 : vector<16xf32>
        %add3A_186 = arith.constant 5 : i32
        %add3A_187 = arith.addi %mul3A_121, %add3A_186 : i32
        %get3A_188 = arith.index_cast %add3A_187 : i32 to index
        %get3A_189 = arith.constant 0 : index
        %get3A_190 = tpu.vector_load %arg6[%get3A_188, %get3A_189] {strides = array<i32>} : memref<640x32xf32, #tpu.memory_space<vmem>>, vector<1x16xf32>,
        %get3A_191 = vector.shape_cast %get3A_190 : vector<1x16xf32> to vector<16xf32>
        %add3A_192 = arith.addf %add3A_178, %get3A_191 : vector<16xf32>
        %add3A_193 = arith.constant 5 : i32
        %add3A_194 = arith.addi %mul3A_121, %add3A_193 : i32
        %get3A_195 = arith.index_cast %add3A_194 : i32 to index
        %get3A_196 = arith.constant 16 : index
        %get3A_197 = tpu.vector_load %arg6[%get3A_195, %get3A_196] {strides = array<i32>} : memref<640x32xf32, #tpu.memory_space<vmem>>, vector<1x16xf32>,
        %get3A_198 = vector.shape_cast %get3A_197 : vector<1x16xf32> to vector<16xf32>
        %add3A_199 = arith.addf %add3A_185, %get3A_198 : vector<16xf32>
        %add3A_200 = arith.constant 6 : i32
        %add3A_201 = arith.addi %mul3A_121, %add3A_200 : i32
        %get3A_202 = arith.index_cast %add3A_201 : i32 to index
        %get3A_203 = arith.constant 0 : index
        %get3A_204 = tpu.vector_load %arg6[%get3A_202, %get3A_203] {strides = array<i32>} : memref<640x32xf32, #tpu.memory_space<vmem>>, vector<1x16xf32>,
        %get3A_205 = vector.shape_cast %get3A_204 : vector<1x16xf32> to vector<16xf32>
        %add3A_206 = arith.addf %add3A_192, %get3A_205 : vector<16xf32>
        %add3A_207 = arith.constant 6 : i32
        %add3A_208 = arith.addi %mul3A_121, %add3A_207 : i32
        %get3A_209 = arith.index_cast %add3A_208 : i32 to index
        %get3A_210 = arith.constant 16 : index
        %get3A_211 = tpu.vector_load %arg6[%get3A_209, %get3A_210] {strides = array<i32>} : memref<640x32xf32, #tpu.memory_space<vmem>>, vector<1x16xf32>,
        %get3A_212 = vector.shape_cast %get3A_211 : vector<1x16xf32> to vector<16xf32>
        %add3A_213 = arith.addf %add3A_199, %get3A_212 : vector<16xf32>
        %add3A_214 = arith.constant 7 : i32
        %add3A_215 = arith.addi %mul3A_121, %add3A_214 : i32
        %get3A_216 = arith.index_cast %add3A_215 : i32 to index
        %get3A_217 = arith.constant 0 : index
        %get3A_218 = tpu.vector_load %arg6[%get3A_216, %get3A_217] {strides = array<i32>} : memref<640x32xf32, #tpu.memory_space<vmem>>, vector<1x16xf32>,
        %get3A_219 = vector.shape_cast %get3A_218 : vector<1x16xf32> to vector<16xf32>
        %add3A_220 = arith.addf %add3A_206, %get3A_219 : vector<16xf32>
        %add3A_221 = arith.constant 7 : i32
        %add3A_222 = arith.addi %mul3A_121, %add3A_221 : i32
        %get3A_223 = arith.index_cast %add3A_222 : i32 to index
        %get3A_224 = arith.constant 16 : index
        %get3A_225 = tpu.vector_load %arg6[%get3A_223, %get3A_224] {strides = array<i32>} : memref<640x32xf32, #tpu.memory_space<vmem>>, vector<1x16xf32>,
        %get3A_226 = vector.shape_cast %get3A_225 : vector<1x16xf32> to vector<16xf32>
        %add3A_227 = arith.addf %add3A_213, %get3A_226 : vector<16xf32>
        %add3A_228 = arith.constant 8 : i32
        %add3A_229 = arith.addi %mul3A_121, %add3A_228 : i32
        %get3A_230 = arith.index_cast %add3A_229 : i32 to index
        %get3A_231 = arith.constant 0 : index
        %get3A_232 = tpu.vector_load %arg6[%get3A_230, %get3A_231] {strides = array<i32>} : memref<640x32xf32, #tpu.memory_space<vmem>>, vector<1x16xf32>,
        %get3A_233 = vector.shape_cast %get3A_232 : vector<1x16xf32> to vector<16xf32>
        %add3A_234 = arith.addf %add3A_220, %get3A_233 : vector<16xf32>
        %add3A_235 = arith.constant 8 : i32
        %add3A_236 = arith.addi %mul3A_121, %add3A_235 : i32
        %get3A_237 = arith.index_cast %add3A_236 : i32 to index
        %get3A_238 = arith.constant 16 : index
        %get3A_239 = tpu.vector_load %arg6[%get3A_237, %get3A_238] {strides = array<i32>} : memref<640x32xf32, #tpu.memory_space<vmem>>, vector<1x16xf32>,
        %get3A_240 = vector.shape_cast %get3A_239 : vector<1x16xf32> to vector<16xf32>
        %add3A_241 = arith.addf %add3A_227, %get3A_240 : vector<16xf32>
        %add3A_242 = arith.constant 9 : i32
        %add3A_243 = arith.addi %mul3A_121, %add3A_242 : i32
        %get3A_244 = arith.index_cast %add3A_243 : i32 to index
        %get3A_245 = arith.constant 0 : index
        %get3A_246 = tpu.vector_load %arg6[%get3A_244, %get3A_245] {strides = array<i32>} : memref<640x32xf32, #tpu.memory_space<vmem>>, vector<1x16xf32>,
        %get3A_247 = vector.shape_cast %get3A_246 : vector<1x16xf32> to vector<16xf32>
        %add3A_248 = arith.addf %add3A_234, %get3A_247 : vector<16xf32>
        %add3A_249 = arith.constant 9 : i32
        %add3A_250 = arith.addi %mul3A_121, %add3A_249 : i32
        %get3A_251 = arith.index_cast %add3A_250 : i32 to index
        %get3A_252 = arith.constant 16 : index
        %get3A_253 = tpu.vector_load %arg6[%get3A_251, %get3A_252] {strides = array<i32>} : memref<640x32xf32, #tpu.memory_space<vmem>>, vector<1x16xf32>,
        %get3A_254 = vector.shape_cast %get3A_253 : vector<1x16xf32> to vector<16xf32>
        %add3A_255 = arith.addf %add3A_241, %get3A_254 : vector<16xf32>
        %add3A_256 = arith.constant 10 : i32
        %add3A_257 = arith.addi %mul3A_121, %add3A_256 : i32
        %get3A_258 = arith.index_cast %add3A_257 : i32 to index
        %get3A_259 = arith.constant 0 : index
        %get3A_260 = tpu.vector_load %arg6[%get3A_258, %get3A_259] {strides = array<i32>} : memref<640x32xf32, #tpu.memory_space<vmem>>, vector<1x16xf32>,
        %get3A_261 = vector.shape_cast %get3A_260 : vector<1x16xf32> to vector<16xf32>
        %add3A_262 = arith.addf %add3A_248, %get3A_261 : vector<16xf32>
        %add3A_263 = arith.constant 10 : i32
        %add3A_264 = arith.addi %mul3A_121, %add3A_263 : i32
        %get3A_265 = arith.index_cast %add3A_264 : i32 to index
        %get3A_266 = arith.constant 16 : index
        %get3A_267 = tpu.vector_load %arg6[%get3A_265, %get3A_266] {strides = array<i32>} : memref<640x32xf32, #tpu.memory_space<vmem>>, vector<1x16xf32>,
        %get3A_268 = vector.shape_cast %get3A_267 : vector<1x16xf32> to vector<16xf32>
        %add3A_269 = arith.addf %add3A_255, %get3A_268 : vector<16xf32>
        %add3A_270 = arith.constant 11 : i32
        %add3A_271 = arith.addi %mul3A_121, %add3A_270 : i32
        %get3A_272 = arith.index_cast %add3A_271 : i32 to index
        %get3A_273 = arith.constant 0 : index
        %get3A_274 = tpu.vector_load %arg6[%get3A_272, %get3A_273] {strides = array<i32>} : memref<640x32xf32, #tpu.memory_space<vmem>>, vector<1x16xf32>,
        %get3A_275 = vector.shape_cast %get3A_274 : vector<1x16xf32> to vector<16xf32>
        %add3A_276 = arith.addf %add3A_262, %get3A_275 : vector<16xf32>
        %add3A_277 = arith.constant 11 : i32
        %add3A_278 = arith.addi %mul3A_121, %add3A_277 : i32
        %get3A_279 = arith.index_cast %add3A_278 : i32 to index
        %get3A_280 = arith.constant 16 : index
        %get3A_281 = tpu.vector_load %arg6[%get3A_279, %get3A_280] {strides = array<i32>} : memref<640x32xf32, #tpu.memory_space<vmem>>, vector<1x16xf32>,
        %get3A_282 = vector.shape_cast %get3A_281 : vector<1x16xf32> to vector<16xf32>
        %add3A_283 = arith.addf %add3A_269, %get3A_282 : vector<16xf32>
        %add3A_284 = arith.constant 12 : i32
        %add3A_285 = arith.addi %mul3A_121, %add3A_284 : i32
        %get3A_286 = arith.index_cast %add3A_285 : i32 to index
        %get3A_287 = arith.constant 0 : index
        %get3A_288 = tpu.vector_load %arg6[%get3A_286, %get3A_287] {strides = array<i32>} : memref<640x32xf32, #tpu.memory_space<vmem>>, vector<1x16xf32>,
        %get3A_289 = vector.shape_cast %get3A_288 : vector<1x16xf32> to vector<16xf32>
        %add3A_290 = arith.addf %add3A_276, %get3A_289 : vector<16xf32>
        %add3A_291 = arith.constant 12 : i32
        %add3A_292 = arith.addi %mul3A_121, %add3A_291 : i32
        %get3A_293 = arith.index_cast %add3A_292 : i32 to index
        %get3A_294 = arith.constant 16 : index
        %get3A_295 = tpu.vector_load %arg6[%get3A_293, %get3A_294] {strides = array<i32>} : memref<640x32xf32, #tpu.memory_space<vmem>>, vector<1x16xf32>,
        %get3A_296 = vector.shape_cast %get3A_295 : vector<1x16xf32> to vector<16xf32>
        %add3A_297 = arith.addf %add3A_283, %get3A_296 : vector<16xf32>
        %add3A_298 = arith.constant 13 : i32
        %add3A_299 = arith.addi %mul3A_121, %add3A_298 : i32
        %get3A_300 = arith.index_cast %add3A_299 : i32 to index
        %get3A_301 = arith.constant 0 : index
        %get3A_302 = tpu.vector_load %arg6[%get3A_300, %get3A_301] {strides = array<i32>} : memref<640x32xf32, #tpu.memory_space<vmem>>, vector<1x16xf32>,
        %get3A_303 = vector.shape_cast %get3A_302 : vector<1x16xf32> to vector<16xf32>
        %add3A_304 = arith.addf %add3A_290, %get3A_303 : vector<16xf32>
        %add3A_305 = arith.constant 13 : i32
        %add3A_306 = arith.addi %mul3A_121, %add3A_305 : i32
        %get3A_307 = arith.index_cast %add3A_306 : i32 to index
        %get3A_308 = arith.constant 16 : index
        %get3A_309 = tpu.vector_load %arg6[%get3A_307, %get3A_308] {strides = array<i32>} : memref<640x32xf32, #tpu.memory_space<vmem>>, vector<1x16xf32>,
        %get3A_310 = vector.shape_cast %get3A_309 : vector<1x16xf32> to vector<16xf32>
        %add3A_311 = arith.addf %add3A_297, %get3A_310 : vector<16xf32>
        %add3A_312 = arith.constant 14 : i32
        %add3A_313 = arith.addi %mul3A_121, %add3A_312 : i32
        %get3A_314 = arith.index_cast %add3A_313 : i32 to index
        %get3A_315 = arith.constant 0 : index
        %get3A_316 = tpu.vector_load %arg6[%get3A_314, %get3A_315] {strides = array<i32>} : memref<640x32xf32, #tpu.memory_space<vmem>>, vector<1x16xf32>,
        %get3A_317 = vector.shape_cast %get3A_316 : vector<1x16xf32> to vector<16xf32>
        %add3A_318 = arith.addf %add3A_304, %get3A_317 : vector<16xf32>
        %add3A_319 = arith.constant 14 : i32
        %add3A_320 = arith.addi %mul3A_121, %add3A_319 : i32
        %get3A_321 = arith.index_cast %add3A_320 : i32 to index
        %get3A_322 = arith.constant 16 : index
        %get3A_323 = tpu.vector_load %arg6[%get3A_321, %get3A_322] {strides = array<i32>} : memref<640x32xf32, #tpu.memory_space<vmem>>, vector<1x16xf32>,
        %get3A_324 = vector.shape_cast %get3A_323 : vector<1x16xf32> to vector<16xf32>
        %add3A_325 = arith.addf %add3A_311, %get3A_324 : vector<16xf32>
        %add3A_326 = arith.constant 15 : i32
        %add3A_327 = arith.addi %mul3A_121, %add3A_326 : i32
        %get3A_328 = arith.index_cast %add3A_327 : i32 to index
        %get3A_329 = arith.constant 0 : index
        %get3A_330 = tpu.vector_load %arg6[%get3A_328, %get3A_329] {strides = array<i32>} : memref<640x32xf32, #tpu.memory_space<vmem>>, vector<1x16xf32>,
        %get3A_331 = vector.shape_cast %get3A_330 : vector<1x16xf32> to vector<16xf32>
        %add3A_332 = arith.addf %add3A_318, %get3A_331 : vector<16xf32>
        %add3A_333 = arith.constant 15 : i32
        %add3A_334 = arith.addi %mul3A_121, %add3A_333 : i32
        %get3A_335 = arith.index_cast %add3A_334 : i32 to index
        %get3A_336 = arith.constant 16 : index
        %get3A_337 = tpu.vector_load %arg6[%get3A_335, %get3A_336] {strides = array<i32>} : memref<640x32xf32, #tpu.memory_space<vmem>>, vector<1x16xf32>,
        %get3A_338 = vector.shape_cast %get3A_337 : vector<1x16xf32> to vector<16xf32>
        %add3A_339 = arith.addf %add3A_325, %get3A_338 : vector<16xf32>
        %add3A_340 = arith.constant 16 : i32
        %add3A_341 = arith.addi %mul3A_121, %add3A_340 : i32
        %get3A_342 = arith.index_cast %add3A_341 : i32 to index
        %get3A_343 = arith.constant 0 : index
        %get3A_344 = tpu.vector_load %arg6[%get3A_342, %get3A_343] {strides = array<i32>} : memref<640x32xf32, #tpu.memory_space<vmem>>, vector<1x16xf32>,
        %get3A_345 = vector.shape_cast %get3A_344 : vector<1x16xf32> to vector<16xf32>
        %add3A_346 = arith.addf %add3A_332, %get3A_345 : vector<16xf32>
        %add3A_347 = arith.constant 16 : i32
        %add3A_348 = arith.addi %mul3A_121, %add3A_347 : i32
        %get3A_349 = arith.index_cast %add3A_348 : i32 to index
        %get3A_350 = arith.constant 16 : index
        %get3A_351 = tpu.vector_load %arg6[%get3A_349, %get3A_350] {strides = array<i32>} : memref<640x32xf32, #tpu.memory_space<vmem>>, vector<1x16xf32>,
        %get3A_352 = vector.shape_cast %get3A_351 : vector<1x16xf32> to vector<16xf32>
        %add3A_353 = arith.addf %add3A_339, %get3A_352 : vector<16xf32>
        %add3A_354 = arith.constant 17 : i32
        %add3A_355 = arith.addi %mul3A_121, %add3A_354 : i32
        %get3A_356 = arith.index_cast %add3A_355 : i32 to index
        %get3A_357 = arith.constant 0 : index
        %get3A_358 = tpu.vector_load %arg6[%get3A_356, %get3A_357] {strides = array<i32>} : memref<640x32xf32, #tpu.memory_space<vmem>>, vector<1x16xf32>,
        %get3A_359 = vector.shape_cast %get3A_358 : vector<1x16xf32> to vector<16xf32>
        %add3A_360 = arith.addf %add3A_346, %get3A_359 : vector<16xf32>
        %add3A_361 = arith.constant 17 : i32
        %add3A_362 = arith.addi %mul3A_121, %add3A_361 : i32
        %get3A_363 = arith.index_cast %add3A_362 : i32 to index
        %get3A_364 = arith.constant 16 : index
        %get3A_365 = tpu.vector_load %arg6[%get3A_363, %get3A_364] {strides = array<i32>} : memref<640x32xf32, #tpu.memory_space<vmem>>, vector<1x16xf32>,
        %get3A_366 = vector.shape_cast %get3A_365 : vector<1x16xf32> to vector<16xf32>
        %add3A_367 = arith.addf %add3A_353, %get3A_366 : vector<16xf32>
        %add3A_368 = arith.constant 18 : i32
        %add3A_369 = arith.addi %mul3A_121, %add3A_368 : i32
        %get3A_370 = arith.index_cast %add3A_369 : i32 to index
        %get3A_371 = arith.constant 0 : index
        %get3A_372 = tpu.vector_load %arg6[%get3A_370, %get3A_371] {strides = array<i32>} : memref<640x32xf32, #tpu.memory_space<vmem>>, vector<1x16xf32>,
        %get3A_373 = vector.shape_cast %get3A_372 : vector<1x16xf32> to vector<16xf32>
        %add3A_374 = arith.addf %add3A_360, %get3A_373 : vector<16xf32>
        %add3A_375 = arith.constant 18 : i32
        %add3A_376 = arith.addi %mul3A_121, %add3A_375 : i32
        %get3A_377 = arith.index_cast %add3A_376 : i32 to index
        %get3A_378 = arith.constant 16 : index
        %get3A_379 = tpu.vector_load %arg6[%get3A_377, %get3A_378] {strides = array<i32>} : memref<640x32xf32, #tpu.memory_space<vmem>>, vector<1x16xf32>,
        %get3A_380 = vector.shape_cast %get3A_379 : vector<1x16xf32> to vector<16xf32>
        %add3A_381 = arith.addf %add3A_367, %get3A_380 : vector<16xf32>
        %add3A_382 = arith.constant 19 : i32
        %add3A_383 = arith.addi %mul3A_121, %add3A_382 : i32
        %get3A_384 = arith.index_cast %add3A_383 : i32 to index
        %get3A_385 = arith.constant 0 : index
        %get3A_386 = tpu.vector_load %arg6[%get3A_384, %get3A_385] {strides = array<i32>} : memref<640x32xf32, #tpu.memory_space<vmem>>, vector<1x16xf32>,
        %get3A_387 = vector.shape_cast %get3A_386 : vector<1x16xf32> to vector<16xf32>
        %add3A_388 = arith.addf %add3A_374, %get3A_387 : vector<16xf32>
        %add3A_389 = arith.constant 19 : i32
        %add3A_390 = arith.addi %mul3A_121, %add3A_389 : i32
        %get3A_391 = arith.index_cast %add3A_390 : i32 to index
        %get3A_392 = arith.constant 16 : index
        %get3A_393 = tpu.vector_load %arg6[%get3A_391, %get3A_392] {strides = array<i32>} : memref<640x32xf32, #tpu.memory_space<vmem>>, vector<1x16xf32>,
        %get3A_394 = vector.shape_cast %get3A_393 : vector<1x16xf32> to vector<16xf32>
        %add3A_395 = arith.addf %add3A_381, %get3A_394 : vector<16xf32>
        %broadcast_in_dim3A = arith.constant 1.000000e+00 : f32
        %broadcast_in_dim3A_396 = vector.broadcast %broadcast_in_dim3A : f32 to vector<16xf32>
        %broadcast_in_dim3A_397 = arith.constant 0.000000e+00 : f32
        %broadcast_in_dim3A_398 = vector.broadcast %broadcast_in_dim3A_397 : f32 to vector<16xf32>
        %get3A_399 = arith.index_cast %mul3A_121 : i32 to index
        %get3A_400 = tpu.vector_load %arg5[%get3A_399] {strides = array<i32>} : memref<672xi32, #tpu.memory_space<vmem>>, vector<16xi32>,
        %get3A_401 = vector.shape_cast %get3A_400 : vector<16xi32> to vector<16xi32>
        %ne3A = arith.constant 0 : i32
        %ne3A_402 = vector.broadcast %ne3A : i32 to vector<16xi32>
        %ne3A_403 = arith.cmpi ne, %get3A_401, %ne3A_402 : vector<16xi32>
        %add3A_404 = arith.constant 16 : i32
        %add3A_405 = arith.addi %mul3A_121, %add3A_404 : i32
        %get3A_406 = arith.index_cast %add3A_405 : i32 to index
        %get3A_407 = tpu.vector_load %arg5[%get3A_406] {strides = array<i32>} : memref<672xi32, #tpu.memory_space<vmem>>, vector<16xi32>,
        %get3A_408 = vector.shape_cast %get3A_407 : vector<16xi32> to vector<16xi32>
        %ne3A_409 = arith.constant 0 : i32
        %ne3A_410 = vector.broadcast %ne3A_409 : i32 to vector<16xi32>
        %ne3A_411 = arith.cmpi ne, %get3A_408, %ne3A_410 : vector<16xi32>
        %and3A = arith.andi %ne3A_411, %lt3A_4 : vector<16xi1>
        %select_n3A = arith.select %ne3A_403, %broadcast_in_dim3A_396, %broadcast_in_dim3A_398 : vector<16xi1>, vector<16xf32>
        %select_n3A_412 = arith.select %and3A, %broadcast_in_dim3A_396, %broadcast_in_dim3A_398 : vector<16xi1>, vector<16xf32>
        %add3A_413 = arith.addf %select_n3A, %select_n3A_412 : vector<16xf32>
        %broadcast_in_dim3A_414 = vector.shape_cast %xor3A_6 : vector<16xi32> to vector<16x1xi32>
        %gather3A = vector.shape_cast %broadcast_in_dim3A_414 : vector<16x1xi32> to vector<16xi32>
        %gather3A_415 = tpu.dynamic_gather %add3A_413[%gather3A] in [0] : vector<16xf32>, vector<16xi32> -> vector<16xf32>
        %add3A_416 = arith.addf %add3A_413, %gather3A_415 : vector<16xf32>
        %broadcast_in_dim3A_417 = vector.shape_cast %xor3A_9 : vector<16xi32> to vector<16x1xi32>
        %gather3A_418 = vector.shape_cast %broadcast_in_dim3A_417 : vector<16x1xi32> to vector<16xi32>
        %gather3A_419 = tpu.dynamic_gather %add3A_416[%gather3A_418] in [0] : vector<16xf32>, vector<16xi32> -> vector<16xf32>
        %add3A_420 = arith.addf %add3A_416, %gather3A_419 : vector<16xf32>
        %broadcast_in_dim3A_421 = vector.shape_cast %xor3A_12 : vector<16xi32> to vector<16x1xi32>
        %gather3A_422 = vector.shape_cast %broadcast_in_dim3A_421 : vector<16x1xi32> to vector<16xi32>
        %gather3A_423 = tpu.dynamic_gather %add3A_420[%gather3A_422] in [0] : vector<16xf32>, vector<16xi32> -> vector<16xf32>
        %add3A_424 = arith.addf %add3A_420, %gather3A_423 : vector<16xf32>
        %broadcast_in_dim3A_425 = vector.shape_cast %xor3A_15 : vector<16xi32> to vector<16x1xi32>
        %gather3A_426 = vector.shape_cast %broadcast_in_dim3A_425 : vector<16x1xi32> to vector<16xi32>
        %gather3A_427 = tpu.dynamic_gather %add3A_424[%gather3A_426] in [0] : vector<16xf32>, vector<16xi32> -> vector<16xf32>
        %add3A_428 = arith.addf %add3A_424, %gather3A_427 : vector<16xf32>
        %sub3A = arith.constant 2.000000e+01 : f32
        %sub3A_429 = vector.broadcast %sub3A : f32 to vector<16xf32>
        %sub3A_430 = arith.subf %sub3A_429, %add3A_428 : vector<16xf32>
        %max3A = arith.constant 1.000000e+00 : f32
        %max3A_431 = vector.broadcast %max3A : f32 to vector<16xf32>
        %max3A_432 = arith.maximumf %add3A_428, %max3A_431 : vector<16xf32>
        %mul3A_433 = arith.constant 32 : i32
        %mul3A_434 = arith.muli %scan3A_21, %mul3A_433 : i32
        %add3A_435 = arith.addi %mul3A_434, %scan3A_119 : i32
        %mul3A_436 = arith.mulf %sub3A_430, %get3A_108 : vector<16xf32>
        %sub3A_437 = arith.subf %add3A_388, %mul3A_436 : vector<16xf32>
        %div3A = arith.divf %sub3A_437, %max3A_432 : vector<16xf32>
        %swap3A = arith.index_cast %add3A_435 : i32 to index
        %swap3A_438 = arith.constant 0 : index
        %swap3A_439 = tpu.vector_load %arg7[%swap3A, %swap3A_438] {strides = array<i32>} : memref<512x32xf32, #tpu.memory_space<vmem>>, vector<1x16xf32>,
        %swap3A_440 = vector.shape_cast %swap3A_439 : vector<1x16xf32> to vector<16xf32>
        %swap3A_441 = vector.shape_cast %div3A : vector<16xf32> to vector<1x16xf32>
        tpu.vector_store %arg7[%swap3A, %swap3A_438], %swap3A_441 {strides = array<i32>} : memref<512x32xf32, #tpu.memory_space<vmem>>, vector<1x16xf32>,
        %mul3A_442 = arith.mulf %sub3A_430, %get3A_113 : vector<16xf32>
        %sub3A_443 = arith.subf %add3A_395, %mul3A_442 : vector<16xf32>
        %div3A_444 = arith.divf %sub3A_443, %max3A_432 : vector<16xf32>
        %swap3A_445 = arith.index_cast %add3A_435 : i32 to index
        %swap3A_446 = arith.constant 16 : index
        %swap3A_447 = tpu.vector_load %arg7[%swap3A_445, %swap3A_446] {strides = array<i32>} : memref<512x32xf32, #tpu.memory_space<vmem>>, vector<1x16xf32>,
        %swap3A_448 = vector.shape_cast %swap3A_447 : vector<1x16xf32> to vector<16xf32>
        %swap3A_449 = vector.shape_cast %div3A_444 : vector<16xf32> to vector<1x16xf32>
        tpu.vector_store %arg7[%swap3A_445, %swap3A_446], %swap3A_449 {strides = array<i32>} : memref<512x32xf32, #tpu.memory_space<vmem>>, vector<1x16xf32>,
      }
      %scan3A_118 = arith.constant 32 : i32
    }
    %scan3A_20 = arith.constant 16 : i32
    "tpu.region"() ({
      %run_scoped3A = tpu.sem_alloc : memref<!tpu.dma_semaphore, #tpu.memory_space<semaphore_mem>>
      %dma_start3A = arith.constant 0 : i32
      %dma_start3A_21 = tpu.memref_slice %arg4[%mul3A_2, %dma_start3A] : memref<16384x32xf32, #tpu.memory_space<hbm>> -> memref<512x32xf32, #tpu.memory_space<hbm>>
      %dma_start3A_22 = arith.constant 0 : i32
      %dma_start3A_23 = tpu.memref_slice %arg4[%mul3A_2, %dma_start3A_22] : memref<16384x32xf32, #tpu.memory_space<hbm>> -> memref<512x32xf32, #tpu.memory_space<hbm>>
      tpu.enqueue_dma source(%arg7 : memref<512x32xf32, #tpu.memory_space<vmem>>) target(%dma_start3A_23 : memref<512x32xf32, #tpu.memory_space<hbm>>) target_semaphore(%run_scoped3A : memref<!tpu.dma_semaphore, #tpu.memory_space<semaphore_mem>>)
      %dma_wait3A = arith.constant 0 : i32
      %dma_wait3A_24 = tpu.memref_slice %arg4[%mul3A_2, %dma_wait3A] : memref<16384x32xf32, #tpu.memory_space<hbm>> -> memref<512x32xf32, #tpu.memory_space<hbm>>
      %dma_wait3A_25 = arith.constant 0 : i32
      %dma_wait3A_26 = tpu.memref_slice %arg4[%mul3A_2, %dma_wait3A_25] : memref<16384x32xf32, #tpu.memory_space<hbm>> -> memref<512x32xf32, #tpu.memory_space<hbm>>
      tpu.wait_dma2 semaphore(%run_scoped3A : memref<!tpu.dma_semaphore, #tpu.memory_space<semaphore_mem>>) src(%arg7 : memref<512x32xf32, #tpu.memory_space<vmem>>) dst(%dma_wait3A_26 : memref<512x32xf32, #tpu.memory_space<hbm>>)
      tpu.yield
    }) : () -> ()
    return
  }
}

#map = affine_map<(d0, d1) -> (0)>
#map1 = affine_map<(d0, d1) -> (0, 0)>
module attributes {stable_mosaic.version = 14 : i64} {
  func.func @title_sc(%arg0: i32, %arg1: i32, %arg2: memref<16384xi32, #tpu.memory_space<hbm>>, %arg3: memref<1000001x32xf32, #tpu.memory_space<hbm>>, %arg4: memref<16384x128xf32, #tpu.memory_space<hbm>>, %arg5: memref<512xi32, #tpu.memory_space<vmem>>, %arg6: memref<128x32xf32, #tpu.memory_space<vmem>>, %arg7: memref<128x128xf32, #tpu.memory_space<vmem>>, %arg8: memref<!tpu.dma_semaphore, #tpu.memory_space<semaphore_mem>>) attributes {dimension_semantics = [#tpu.dimension_semantics<core_parallel>, #tpu.dimension_semantics<subcore_parallel>], iteration_bounds = array<i64: 2, 16>, scalar_prefetch = 0 : i64, scratch_operands = 4 : i64, tpu.core_type = #tpu.core_type<sc_vector_subcore>, window_params = [{transform_indices = #map}, {transform_indices = #map1}, {transform_indices = #map1}]} {
    %mul3A = arith.constant 2 : i32
    %mul3A_0 = arith.muli %arg1, %mul3A : i32
    %add3A = arith.addi %mul3A_0, %arg0 : i32
    %mul3A_1 = arith.constant 512 : i32
    %mul3A_2 = arith.muli %add3A, %mul3A_1 : i32
    "tpu.region"() ({
      %run_scoped3A = tpu.sem_alloc : memref<!tpu.dma_semaphore, #tpu.memory_space<semaphore_mem>>
      %dma_start3A = tpu.memref_slice %arg2[%mul3A_2] : memref<16384xi32, #tpu.memory_space<hbm>> -> memref<512xi32, #tpu.memory_space<hbm>>
      %dma_start3A_8 = tpu.memref_slice %arg2[%mul3A_2] : memref<16384xi32, #tpu.memory_space<hbm>> -> memref<512xi32, #tpu.memory_space<hbm>>
      tpu.enqueue_dma source(%dma_start3A_8 : memref<512xi32, #tpu.memory_space<hbm>>) target(%arg5 : memref<512xi32, #tpu.memory_space<vmem>>) target_semaphore(%run_scoped3A : memref<!tpu.dma_semaphore, #tpu.memory_space<semaphore_mem>>)
      %dma_wait3A = tpu.memref_slice %arg2[%mul3A_2] : memref<16384xi32, #tpu.memory_space<hbm>> -> memref<512xi32, #tpu.memory_space<hbm>>
      %dma_wait3A_9 = tpu.memref_slice %arg2[%mul3A_2] : memref<16384xi32, #tpu.memory_space<hbm>> -> memref<512xi32, #tpu.memory_space<hbm>>
      tpu.wait_dma2 semaphore(%run_scoped3A : memref<!tpu.dma_semaphore, #tpu.memory_space<semaphore_mem>>) src(%dma_wait3A_9 : memref<512xi32, #tpu.memory_space<hbm>>) dst(%arg5 : memref<512xi32, #tpu.memory_space<vmem>>)
      tpu.yield
    }) : () -> ()
    %scan3A = arith.constant 0 : i32
    %scan3A_3 = arith.constant 0 : i32
    %scan3A_4 = arith.constant 4 : i32
    %scan3A_5 = arith.addi %scan3A_3, %scan3A_4 : i32
    %scan3A_6 = arith.constant 1 : i32
    scf.for %scan3A_8 = %scan3A_3 to %scan3A_5 step %scan3A_6  : i32 {
      %scan3A_9 = arith.constant 0 : i32
      %scan3A_10 = arith.constant 0 : i32
      %scan3A_11 = arith.constant 8 : i32
      %scan3A_12 = arith.addi %scan3A_10, %scan3A_11 : i32
      %scan3A_13 = arith.constant 1 : i32
      scf.for %scan3A_18 = %scan3A_10 to %scan3A_12 step %scan3A_13  : i32 {
        %mul3A_19 = arith.constant 128 : i32
        %mul3A_20 = arith.muli %scan3A_8, %mul3A_19 : i32
        %mul3A_21 = arith.constant 16 : i32
        %mul3A_22 = arith.muli %scan3A_18, %mul3A_21 : i32
        %add3A_23 = arith.addi %mul3A_20, %mul3A_22 : i32
        %get3A = arith.index_cast %add3A_23 : i32 to index
        %get3A_24 = tpu.vector_load %arg5[%get3A] {strides = array<i32>} : memref<512xi32, #tpu.memory_space<vmem>>, vector<16xi32>,
        %get3A_25 = vector.shape_cast %get3A_24 : vector<16xi32> to vector<16xi32>
        %slice3A = vector.extract_strided_slice %get3A_25 {offsets = [0], sizes = [1], strides = [1]} : vector<16xi32> to vector<1xi32>
        %squeeze3A = vector.extract %slice3A[0] : i32 from vector<1xi32>
        %and3A = arith.constant -8 : i32
        %and3A_26 = arith.andi %squeeze3A, %and3A : i32
        %multiple_of3A = tpu.assume_multiple %and3A_26, 8 : i32
        %dma_start3A = arith.constant 0 : i32
        %dma_start3A_27 = arith.constant 0 : i32
        %dma_start3A_28 = tpu.memref_slice %arg6[%dma_start3A, %dma_start3A_27] : memref<128x32xf32, #tpu.memory_space<vmem>> -> memref<8x32xf32, #tpu.memory_space<vmem>>
        %dma_start3A_29 = arith.constant 0 : i32
        %dma_start3A_30 = tpu.memref_slice %arg3[%multiple_of3A, %dma_start3A_29] : memref<1000001x32xf32, #tpu.memory_space<hbm>> -> memref<8x32xf32, #tpu.memory_space<hbm>>
        %dma_start3A_31 = arith.constant 0 : i32
        %dma_start3A_32 = arith.constant 0 : i32
        %dma_start3A_33 = tpu.memref_slice %arg6[%dma_start3A_31, %dma_start3A_32] : memref<128x32xf32, #tpu.memory_space<vmem>> -> memref<8x32xf32, #tpu.memory_space<vmem>>
        %dma_start3A_34 = arith.constant 0 : i32
        %dma_start3A_35 = tpu.memref_slice %arg3[%multiple_of3A, %dma_start3A_34] : memref<1000001x32xf32, #tpu.memory_space<hbm>> -> memref<8x32xf32, #tpu.memory_space<hbm>>
        tpu.enqueue_dma source(%dma_start3A_35 : memref<8x32xf32, #tpu.memory_space<hbm>>) target(%dma_start3A_33 : memref<8x32xf32, #tpu.memory_space<vmem>>) target_semaphore(%arg8 : memref<!tpu.dma_semaphore, #tpu.memory_space<semaphore_mem>>)
        %slice3A_36 = vector.extract_strided_slice %get3A_25 {offsets = [1], sizes = [1], strides = [1]} : vector<16xi32> to vector<1xi32>
        %squeeze3A_37 = vector.extract %slice3A_36[0] : i32 from vector<1xi32>
        %and3A_38 = arith.constant -8 : i32
        %and3A_39 = arith.andi %squeeze3A_37, %and3A_38 : i32
        %multiple_of3A_40 = tpu.assume_multiple %and3A_39, 8 : i32
        %dma_start3A_41 = arith.constant 8 : i32
        %dma_start3A_42 = arith.constant 0 : i32
        %dma_start3A_43 = tpu.memref_slice %arg6[%dma_start3A_41, %dma_start3A_42] : memref<128x32xf32, #tpu.memory_space<vmem>> -> memref<8x32xf32, #tpu.memory_space<vmem>>
        %dma_start3A_44 = arith.constant 0 : i32
        %dma_start3A_45 = tpu.memref_slice %arg3[%multiple_of3A_40, %dma_start3A_44] : memref<1000001x32xf32, #tpu.memory_space<hbm>> -> memref<8x32xf32, #tpu.memory_space<hbm>>
        %dma_start3A_46 = arith.constant 8 : i32
        %dma_start3A_47 = arith.constant 0 : i32
        %dma_start3A_48 = tpu.memref_slice %arg6[%dma_start3A_46, %dma_start3A_47] : memref<128x32xf32, #tpu.memory_space<vmem>> -> memref<8x32xf32, #tpu.memory_space<vmem>>
        %dma_start3A_49 = arith.constant 0 : i32
        %dma_start3A_50 = tpu.memref_slice %arg3[%multiple_of3A_40, %dma_start3A_49] : memref<1000001x32xf32, #tpu.memory_space<hbm>> -> memref<8x32xf32, #tpu.memory_space<hbm>>
        tpu.enqueue_dma source(%dma_start3A_50 : memref<8x32xf32, #tpu.memory_space<hbm>>) target(%dma_start3A_48 : memref<8x32xf32, #tpu.memory_space<vmem>>) target_semaphore(%arg8 : memref<!tpu.dma_semaphore, #tpu.memory_space<semaphore_mem>>)
        %slice3A_51 = vector.extract_strided_slice %get3A_25 {offsets = [2], sizes = [1], strides = [1]} : vector<16xi32> to vector<1xi32>
        %squeeze3A_52 = vector.extract %slice3A_51[0] : i32 from vector<1xi32>
        %and3A_53 = arith.constant -8 : i32
        %and3A_54 = arith.andi %squeeze3A_52, %and3A_53 : i32
        %multiple_of3A_55 = tpu.assume_multiple %and3A_54, 8 : i32
        %dma_start3A_56 = arith.constant 16 : i32
        %dma_start3A_57 = arith.constant 0 : i32
        %dma_start3A_58 = tpu.memref_slice %arg6[%dma_start3A_56, %dma_start3A_57] : memref<128x32xf32, #tpu.memory_space<vmem>> -> memref<8x32xf32, #tpu.memory_space<vmem>>
        %dma_start3A_59 = arith.constant 0 : i32
        %dma_start3A_60 = tpu.memref_slice %arg3[%multiple_of3A_55, %dma_start3A_59] : memref<1000001x32xf32, #tpu.memory_space<hbm>> -> memref<8x32xf32, #tpu.memory_space<hbm>>
        %dma_start3A_61 = arith.constant 16 : i32
        %dma_start3A_62 = arith.constant 0 : i32
        %dma_start3A_63 = tpu.memref_slice %arg6[%dma_start3A_61, %dma_start3A_62] : memref<128x32xf32, #tpu.memory_space<vmem>> -> memref<8x32xf32, #tpu.memory_space<vmem>>
        %dma_start3A_64 = arith.constant 0 : i32
        %dma_start3A_65 = tpu.memref_slice %arg3[%multiple_of3A_55, %dma_start3A_64] : memref<1000001x32xf32, #tpu.memory_space<hbm>> -> memref<8x32xf32, #tpu.memory_space<hbm>>
        tpu.enqueue_dma source(%dma_start3A_65 : memref<8x32xf32, #tpu.memory_space<hbm>>) target(%dma_start3A_63 : memref<8x32xf32, #tpu.memory_space<vmem>>) target_semaphore(%arg8 : memref<!tpu.dma_semaphore, #tpu.memory_space<semaphore_mem>>)
        %slice3A_66 = vector.extract_strided_slice %get3A_25 {offsets = [3], sizes = [1], strides = [1]} : vector<16xi32> to vector<1xi32>
        %squeeze3A_67 = vector.extract %slice3A_66[0] : i32 from vector<1xi32>
        %and3A_68 = arith.constant -8 : i32
        %and3A_69 = arith.andi %squeeze3A_67, %and3A_68 : i32
        %multiple_of3A_70 = tpu.assume_multiple %and3A_69, 8 : i32
        %dma_start3A_71 = arith.constant 24 : i32
        %dma_start3A_72 = arith.constant 0 : i32
        %dma_start3A_73 = tpu.memref_slice %arg6[%dma_start3A_71, %dma_start3A_72] : memref<128x32xf32, #tpu.memory_space<vmem>> -> memref<8x32xf32, #tpu.memory_space<vmem>>
        %dma_start3A_74 = arith.constant 0 : i32
        %dma_start3A_75 = tpu.memref_slice %arg3[%multiple_of3A_70, %dma_start3A_74] : memref<1000001x32xf32, #tpu.memory_space<hbm>> -> memref<8x32xf32, #tpu.memory_space<hbm>>
        %dma_start3A_76 = arith.constant 24 : i32
        %dma_start3A_77 = arith.constant 0 : i32
        %dma_start3A_78 = tpu.memref_slice %arg6[%dma_start3A_76, %dma_start3A_77] : memref<128x32xf32, #tpu.memory_space<vmem>> -> memref<8x32xf32, #tpu.memory_space<vmem>>
        %dma_start3A_79 = arith.constant 0 : i32
        %dma_start3A_80 = tpu.memref_slice %arg3[%multiple_of3A_70, %dma_start3A_79] : memref<1000001x32xf32, #tpu.memory_space<hbm>> -> memref<8x32xf32, #tpu.memory_space<hbm>>
        tpu.enqueue_dma source(%dma_start3A_80 : memref<8x32xf32, #tpu.memory_space<hbm>>) target(%dma_start3A_78 : memref<8x32xf32, #tpu.memory_space<vmem>>) target_semaphore(%arg8 : memref<!tpu.dma_semaphore, #tpu.memory_space<semaphore_mem>>)
        %slice3A_81 = vector.extract_strided_slice %get3A_25 {offsets = [4], sizes = [1], strides = [1]} : vector<16xi32> to vector<1xi32>
        %squeeze3A_82 = vector.extract %slice3A_81[0] : i32 from vector<1xi32>
        %and3A_83 = arith.constant -8 : i32
        %and3A_84 = arith.andi %squeeze3A_82, %and3A_83 : i32
        %multiple_of3A_85 = tpu.assume_multiple %and3A_84, 8 : i32
        %dma_start3A_86 = arith.constant 32 : i32
        %dma_start3A_87 = arith.constant 0 : i32
        %dma_start3A_88 = tpu.memref_slice %arg6[%dma_start3A_86, %dma_start3A_87] : memref<128x32xf32, #tpu.memory_space<vmem>> -> memref<8x32xf32, #tpu.memory_space<vmem>>
        %dma_start3A_89 = arith.constant 0 : i32
        %dma_start3A_90 = tpu.memref_slice %arg3[%multiple_of3A_85, %dma_start3A_89] : memref<1000001x32xf32, #tpu.memory_space<hbm>> -> memref<8x32xf32, #tpu.memory_space<hbm>>
        %dma_start3A_91 = arith.constant 32 : i32
        %dma_start3A_92 = arith.constant 0 : i32
        %dma_start3A_93 = tpu.memref_slice %arg6[%dma_start3A_91, %dma_start3A_92] : memref<128x32xf32, #tpu.memory_space<vmem>> -> memref<8x32xf32, #tpu.memory_space<vmem>>
        %dma_start3A_94 = arith.constant 0 : i32
        %dma_start3A_95 = tpu.memref_slice %arg3[%multiple_of3A_85, %dma_start3A_94] : memref<1000001x32xf32, #tpu.memory_space<hbm>> -> memref<8x32xf32, #tpu.memory_space<hbm>>
        tpu.enqueue_dma source(%dma_start3A_95 : memref<8x32xf32, #tpu.memory_space<hbm>>) target(%dma_start3A_93 : memref<8x32xf32, #tpu.memory_space<vmem>>) target_semaphore(%arg8 : memref<!tpu.dma_semaphore, #tpu.memory_space<semaphore_mem>>)
        %slice3A_96 = vector.extract_strided_slice %get3A_25 {offsets = [5], sizes = [1], strides = [1]} : vector<16xi32> to vector<1xi32>
        %squeeze3A_97 = vector.extract %slice3A_96[0] : i32 from vector<1xi32>
        %and3A_98 = arith.constant -8 : i32
        %and3A_99 = arith.andi %squeeze3A_97, %and3A_98 : i32
        %multiple_of3A_100 = tpu.assume_multiple %and3A_99, 8 : i32
        %dma_start3A_101 = arith.constant 40 : i32
        %dma_start3A_102 = arith.constant 0 : i32
        %dma_start3A_103 = tpu.memref_slice %arg6[%dma_start3A_101, %dma_start3A_102] : memref<128x32xf32, #tpu.memory_space<vmem>> -> memref<8x32xf32, #tpu.memory_space<vmem>>
        %dma_start3A_104 = arith.constant 0 : i32
        %dma_start3A_105 = tpu.memref_slice %arg3[%multiple_of3A_100, %dma_start3A_104] : memref<1000001x32xf32, #tpu.memory_space<hbm>> -> memref<8x32xf32, #tpu.memory_space<hbm>>
        %dma_start3A_106 = arith.constant 40 : i32
        %dma_start3A_107 = arith.constant 0 : i32
        %dma_start3A_108 = tpu.memref_slice %arg6[%dma_start3A_106, %dma_start3A_107] : memref<128x32xf32, #tpu.memory_space<vmem>> -> memref<8x32xf32, #tpu.memory_space<vmem>>
        %dma_start3A_109 = arith.constant 0 : i32
        %dma_start3A_110 = tpu.memref_slice %arg3[%multiple_of3A_100, %dma_start3A_109] : memref<1000001x32xf32, #tpu.memory_space<hbm>> -> memref<8x32xf32, #tpu.memory_space<hbm>>
        tpu.enqueue_dma source(%dma_start3A_110 : memref<8x32xf32, #tpu.memory_space<hbm>>) target(%dma_start3A_108 : memref<8x32xf32, #tpu.memory_space<vmem>>) target_semaphore(%arg8 : memref<!tpu.dma_semaphore, #tpu.memory_space<semaphore_mem>>)
        %slice3A_111 = vector.extract_strided_slice %get3A_25 {offsets = [6], sizes = [1], strides = [1]} : vector<16xi32> to vector<1xi32>
        %squeeze3A_112 = vector.extract %slice3A_111[0] : i32 from vector<1xi32>
        %and3A_113 = arith.constant -8 : i32
        %and3A_114 = arith.andi %squeeze3A_112, %and3A_113 : i32
        %multiple_of3A_115 = tpu.assume_multiple %and3A_114, 8 : i32
        %dma_start3A_116 = arith.constant 48 : i32
        %dma_start3A_117 = arith.constant 0 : i32
        %dma_start3A_118 = tpu.memref_slice %arg6[%dma_start3A_116, %dma_start3A_117] : memref<128x32xf32, #tpu.memory_space<vmem>> -> memref<8x32xf32, #tpu.memory_space<vmem>>
        %dma_start3A_119 = arith.constant 0 : i32
        %dma_start3A_120 = tpu.memref_slice %arg3[%multiple_of3A_115, %dma_start3A_119] : memref<1000001x32xf32, #tpu.memory_space<hbm>> -> memref<8x32xf32, #tpu.memory_space<hbm>>
        %dma_start3A_121 = arith.constant 48 : i32
        %dma_start3A_122 = arith.constant 0 : i32
        %dma_start3A_123 = tpu.memref_slice %arg6[%dma_start3A_121, %dma_start3A_122] : memref<128x32xf32, #tpu.memory_space<vmem>> -> memref<8x32xf32, #tpu.memory_space<vmem>>
        %dma_start3A_124 = arith.constant 0 : i32
        %dma_start3A_125 = tpu.memref_slice %arg3[%multiple_of3A_115, %dma_start3A_124] : memref<1000001x32xf32, #tpu.memory_space<hbm>> -> memref<8x32xf32, #tpu.memory_space<hbm>>
        tpu.enqueue_dma source(%dma_start3A_125 : memref<8x32xf32, #tpu.memory_space<hbm>>) target(%dma_start3A_123 : memref<8x32xf32, #tpu.memory_space<vmem>>) target_semaphore(%arg8 : memref<!tpu.dma_semaphore, #tpu.memory_space<semaphore_mem>>)
        %slice3A_126 = vector.extract_strided_slice %get3A_25 {offsets = [7], sizes = [1], strides = [1]} : vector<16xi32> to vector<1xi32>
        %squeeze3A_127 = vector.extract %slice3A_126[0] : i32 from vector<1xi32>
        %and3A_128 = arith.constant -8 : i32
        %and3A_129 = arith.andi %squeeze3A_127, %and3A_128 : i32
        %multiple_of3A_130 = tpu.assume_multiple %and3A_129, 8 : i32
        %dma_start3A_131 = arith.constant 56 : i32
        %dma_start3A_132 = arith.constant 0 : i32
        %dma_start3A_133 = tpu.memref_slice %arg6[%dma_start3A_131, %dma_start3A_132] : memref<128x32xf32, #tpu.memory_space<vmem>> -> memref<8x32xf32, #tpu.memory_space<vmem>>
        %dma_start3A_134 = arith.constant 0 : i32
        %dma_start3A_135 = tpu.memref_slice %arg3[%multiple_of3A_130, %dma_start3A_134] : memref<1000001x32xf32, #tpu.memory_space<hbm>> -> memref<8x32xf32, #tpu.memory_space<hbm>>
        %dma_start3A_136 = arith.constant 56 : i32
        %dma_start3A_137 = arith.constant 0 : i32
        %dma_start3A_138 = tpu.memref_slice %arg6[%dma_start3A_136, %dma_start3A_137] : memref<128x32xf32, #tpu.memory_space<vmem>> -> memref<8x32xf32, #tpu.memory_space<vmem>>
        %dma_start3A_139 = arith.constant 0 : i32
        %dma_start3A_140 = tpu.memref_slice %arg3[%multiple_of3A_130, %dma_start3A_139] : memref<1000001x32xf32, #tpu.memory_space<hbm>> -> memref<8x32xf32, #tpu.memory_space<hbm>>
        tpu.enqueue_dma source(%dma_start3A_140 : memref<8x32xf32, #tpu.memory_space<hbm>>) target(%dma_start3A_138 : memref<8x32xf32, #tpu.memory_space<vmem>>) target_semaphore(%arg8 : memref<!tpu.dma_semaphore, #tpu.memory_space<semaphore_mem>>)
        %slice3A_141 = vector.extract_strided_slice %get3A_25 {offsets = [8], sizes = [1], strides = [1]} : vector<16xi32> to vector<1xi32>
        %squeeze3A_142 = vector.extract %slice3A_141[0] : i32 from vector<1xi32>
        %and3A_143 = arith.constant -8 : i32
        %and3A_144 = arith.andi %squeeze3A_142, %and3A_143 : i32
        %multiple_of3A_145 = tpu.assume_multiple %and3A_144, 8 : i32
        %dma_start3A_146 = arith.constant 64 : i32
        %dma_start3A_147 = arith.constant 0 : i32
        %dma_start3A_148 = tpu.memref_slice %arg6[%dma_start3A_146, %dma_start3A_147] : memref<128x32xf32, #tpu.memory_space<vmem>> -> memref<8x32xf32, #tpu.memory_space<vmem>>
        %dma_start3A_149 = arith.constant 0 : i32
        %dma_start3A_150 = tpu.memref_slice %arg3[%multiple_of3A_145, %dma_start3A_149] : memref<1000001x32xf32, #tpu.memory_space<hbm>> -> memref<8x32xf32, #tpu.memory_space<hbm>>
        %dma_start3A_151 = arith.constant 64 : i32
        %dma_start3A_152 = arith.constant 0 : i32
        %dma_start3A_153 = tpu.memref_slice %arg6[%dma_start3A_151, %dma_start3A_152] : memref<128x32xf32, #tpu.memory_space<vmem>> -> memref<8x32xf32, #tpu.memory_space<vmem>>
        %dma_start3A_154 = arith.constant 0 : i32
        %dma_start3A_155 = tpu.memref_slice %arg3[%multiple_of3A_145, %dma_start3A_154] : memref<1000001x32xf32, #tpu.memory_space<hbm>> -> memref<8x32xf32, #tpu.memory_space<hbm>>
        tpu.enqueue_dma source(%dma_start3A_155 : memref<8x32xf32, #tpu.memory_space<hbm>>) target(%dma_start3A_153 : memref<8x32xf32, #tpu.memory_space<vmem>>) target_semaphore(%arg8 : memref<!tpu.dma_semaphore, #tpu.memory_space<semaphore_mem>>)
        %slice3A_156 = vector.extract_strided_slice %get3A_25 {offsets = [9], sizes = [1], strides = [1]} : vector<16xi32> to vector<1xi32>
        %squeeze3A_157 = vector.extract %slice3A_156[0] : i32 from vector<1xi32>
        %and3A_158 = arith.constant -8 : i32
        %and3A_159 = arith.andi %squeeze3A_157, %and3A_158 : i32
        %multiple_of3A_160 = tpu.assume_multiple %and3A_159, 8 : i32
        %dma_start3A_161 = arith.constant 72 : i32
        %dma_start3A_162 = arith.constant 0 : i32
        %dma_start3A_163 = tpu.memref_slice %arg6[%dma_start3A_161, %dma_start3A_162] : memref<128x32xf32, #tpu.memory_space<vmem>> -> memref<8x32xf32, #tpu.memory_space<vmem>>
        %dma_start3A_164 = arith.constant 0 : i32
        %dma_start3A_165 = tpu.memref_slice %arg3[%multiple_of3A_160, %dma_start3A_164] : memref<1000001x32xf32, #tpu.memory_space<hbm>> -> memref<8x32xf32, #tpu.memory_space<hbm>>
        %dma_start3A_166 = arith.constant 72 : i32
        %dma_start3A_167 = arith.constant 0 : i32
        %dma_start3A_168 = tpu.memref_slice %arg6[%dma_start3A_166, %dma_start3A_167] : memref<128x32xf32, #tpu.memory_space<vmem>> -> memref<8x32xf32, #tpu.memory_space<vmem>>
        %dma_start3A_169 = arith.constant 0 : i32
        %dma_start3A_170 = tpu.memref_slice %arg3[%multiple_of3A_160, %dma_start3A_169] : memref<1000001x32xf32, #tpu.memory_space<hbm>> -> memref<8x32xf32, #tpu.memory_space<hbm>>
        tpu.enqueue_dma source(%dma_start3A_170 : memref<8x32xf32, #tpu.memory_space<hbm>>) target(%dma_start3A_168 : memref<8x32xf32, #tpu.memory_space<vmem>>) target_semaphore(%arg8 : memref<!tpu.dma_semaphore, #tpu.memory_space<semaphore_mem>>)
        %slice3A_171 = vector.extract_strided_slice %get3A_25 {offsets = [10], sizes = [1], strides = [1]} : vector<16xi32> to vector<1xi32>
        %squeeze3A_172 = vector.extract %slice3A_171[0] : i32 from vector<1xi32>
        %and3A_173 = arith.constant -8 : i32
        %and3A_174 = arith.andi %squeeze3A_172, %and3A_173 : i32
        %multiple_of3A_175 = tpu.assume_multiple %and3A_174, 8 : i32
        %dma_start3A_176 = arith.constant 80 : i32
        %dma_start3A_177 = arith.constant 0 : i32
        %dma_start3A_178 = tpu.memref_slice %arg6[%dma_start3A_176, %dma_start3A_177] : memref<128x32xf32, #tpu.memory_space<vmem>> -> memref<8x32xf32, #tpu.memory_space<vmem>>
        %dma_start3A_179 = arith.constant 0 : i32
        %dma_start3A_180 = tpu.memref_slice %arg3[%multiple_of3A_175, %dma_start3A_179] : memref<1000001x32xf32, #tpu.memory_space<hbm>> -> memref<8x32xf32, #tpu.memory_space<hbm>>
        %dma_start3A_181 = arith.constant 80 : i32
        %dma_start3A_182 = arith.constant 0 : i32
        %dma_start3A_183 = tpu.memref_slice %arg6[%dma_start3A_181, %dma_start3A_182] : memref<128x32xf32, #tpu.memory_space<vmem>> -> memref<8x32xf32, #tpu.memory_space<vmem>>
        %dma_start3A_184 = arith.constant 0 : i32
        %dma_start3A_185 = tpu.memref_slice %arg3[%multiple_of3A_175, %dma_start3A_184] : memref<1000001x32xf32, #tpu.memory_space<hbm>> -> memref<8x32xf32, #tpu.memory_space<hbm>>
        tpu.enqueue_dma source(%dma_start3A_185 : memref<8x32xf32, #tpu.memory_space<hbm>>) target(%dma_start3A_183 : memref<8x32xf32, #tpu.memory_space<vmem>>) target_semaphore(%arg8 : memref<!tpu.dma_semaphore, #tpu.memory_space<semaphore_mem>>)
        %slice3A_186 = vector.extract_strided_slice %get3A_25 {offsets = [11], sizes = [1], strides = [1]} : vector<16xi32> to vector<1xi32>
        %squeeze3A_187 = vector.extract %slice3A_186[0] : i32 from vector<1xi32>
        %and3A_188 = arith.constant -8 : i32
        %and3A_189 = arith.andi %squeeze3A_187, %and3A_188 : i32
        %multiple_of3A_190 = tpu.assume_multiple %and3A_189, 8 : i32
        %dma_start3A_191 = arith.constant 88 : i32
        %dma_start3A_192 = arith.constant 0 : i32
        %dma_start3A_193 = tpu.memref_slice %arg6[%dma_start3A_191, %dma_start3A_192] : memref<128x32xf32, #tpu.memory_space<vmem>> -> memref<8x32xf32, #tpu.memory_space<vmem>>
        %dma_start3A_194 = arith.constant 0 : i32
        %dma_start3A_195 = tpu.memref_slice %arg3[%multiple_of3A_190, %dma_start3A_194] : memref<1000001x32xf32, #tpu.memory_space<hbm>> -> memref<8x32xf32, #tpu.memory_space<hbm>>
        %dma_start3A_196 = arith.constant 88 : i32
        %dma_start3A_197 = arith.constant 0 : i32
        %dma_start3A_198 = tpu.memref_slice %arg6[%dma_start3A_196, %dma_start3A_197] : memref<128x32xf32, #tpu.memory_space<vmem>> -> memref<8x32xf32, #tpu.memory_space<vmem>>
        %dma_start3A_199 = arith.constant 0 : i32
        %dma_start3A_200 = tpu.memref_slice %arg3[%multiple_of3A_190, %dma_start3A_199] : memref<1000001x32xf32, #tpu.memory_space<hbm>> -> memref<8x32xf32, #tpu.memory_space<hbm>>
        tpu.enqueue_dma source(%dma_start3A_200 : memref<8x32xf32, #tpu.memory_space<hbm>>) target(%dma_start3A_198 : memref<8x32xf32, #tpu.memory_space<vmem>>) target_semaphore(%arg8 : memref<!tpu.dma_semaphore, #tpu.memory_space<semaphore_mem>>)
        %slice3A_201 = vector.extract_strided_slice %get3A_25 {offsets = [12], sizes = [1], strides = [1]} : vector<16xi32> to vector<1xi32>
        %squeeze3A_202 = vector.extract %slice3A_201[0] : i32 from vector<1xi32>
        %and3A_203 = arith.constant -8 : i32
        %and3A_204 = arith.andi %squeeze3A_202, %and3A_203 : i32
        %multiple_of3A_205 = tpu.assume_multiple %and3A_204, 8 : i32
        %dma_start3A_206 = arith.constant 96 : i32
        %dma_start3A_207 = arith.constant 0 : i32
        %dma_start3A_208 = tpu.memref_slice %arg6[%dma_start3A_206, %dma_start3A_207] : memref<128x32xf32, #tpu.memory_space<vmem>> -> memref<8x32xf32, #tpu.memory_space<vmem>>
        %dma_start3A_209 = arith.constant 0 : i32
        %dma_start3A_210 = tpu.memref_slice %arg3[%multiple_of3A_205, %dma_start3A_209] : memref<1000001x32xf32, #tpu.memory_space<hbm>> -> memref<8x32xf32, #tpu.memory_space<hbm>>
        %dma_start3A_211 = arith.constant 96 : i32
        %dma_start3A_212 = arith.constant 0 : i32
        %dma_start3A_213 = tpu.memref_slice %arg6[%dma_start3A_211, %dma_start3A_212] : memref<128x32xf32, #tpu.memory_space<vmem>> -> memref<8x32xf32, #tpu.memory_space<vmem>>
        %dma_start3A_214 = arith.constant 0 : i32
        %dma_start3A_215 = tpu.memref_slice %arg3[%multiple_of3A_205, %dma_start3A_214] : memref<1000001x32xf32, #tpu.memory_space<hbm>> -> memref<8x32xf32, #tpu.memory_space<hbm>>
        tpu.enqueue_dma source(%dma_start3A_215 : memref<8x32xf32, #tpu.memory_space<hbm>>) target(%dma_start3A_213 : memref<8x32xf32, #tpu.memory_space<vmem>>) target_semaphore(%arg8 : memref<!tpu.dma_semaphore, #tpu.memory_space<semaphore_mem>>)
        %slice3A_216 = vector.extract_strided_slice %get3A_25 {offsets = [13], sizes = [1], strides = [1]} : vector<16xi32> to vector<1xi32>
        %squeeze3A_217 = vector.extract %slice3A_216[0] : i32 from vector<1xi32>
        %and3A_218 = arith.constant -8 : i32
        %and3A_219 = arith.andi %squeeze3A_217, %and3A_218 : i32
        %multiple_of3A_220 = tpu.assume_multiple %and3A_219, 8 : i32
        %dma_start3A_221 = arith.constant 104 : i32
        %dma_start3A_222 = arith.constant 0 : i32
        %dma_start3A_223 = tpu.memref_slice %arg6[%dma_start3A_221, %dma_start3A_222] : memref<128x32xf32, #tpu.memory_space<vmem>> -> memref<8x32xf32, #tpu.memory_space<vmem>>
        %dma_start3A_224 = arith.constant 0 : i32
        %dma_start3A_225 = tpu.memref_slice %arg3[%multiple_of3A_220, %dma_start3A_224] : memref<1000001x32xf32, #tpu.memory_space<hbm>> -> memref<8x32xf32, #tpu.memory_space<hbm>>
        %dma_start3A_226 = arith.constant 104 : i32
        %dma_start3A_227 = arith.constant 0 : i32
        %dma_start3A_228 = tpu.memref_slice %arg6[%dma_start3A_226, %dma_start3A_227] : memref<128x32xf32, #tpu.memory_space<vmem>> -> memref<8x32xf32, #tpu.memory_space<vmem>>
        %dma_start3A_229 = arith.constant 0 : i32
        %dma_start3A_230 = tpu.memref_slice %arg3[%multiple_of3A_220, %dma_start3A_229] : memref<1000001x32xf32, #tpu.memory_space<hbm>> -> memref<8x32xf32, #tpu.memory_space<hbm>>
        tpu.enqueue_dma source(%dma_start3A_230 : memref<8x32xf32, #tpu.memory_space<hbm>>) target(%dma_start3A_228 : memref<8x32xf32, #tpu.memory_space<vmem>>) target_semaphore(%arg8 : memref<!tpu.dma_semaphore, #tpu.memory_space<semaphore_mem>>)
        %slice3A_231 = vector.extract_strided_slice %get3A_25 {offsets = [14], sizes = [1], strides = [1]} : vector<16xi32> to vector<1xi32>
        %squeeze3A_232 = vector.extract %slice3A_231[0] : i32 from vector<1xi32>
        %and3A_233 = arith.constant -8 : i32
        %and3A_234 = arith.andi %squeeze3A_232, %and3A_233 : i32
        %multiple_of3A_235 = tpu.assume_multiple %and3A_234, 8 : i32
        %dma_start3A_236 = arith.constant 112 : i32
        %dma_start3A_237 = arith.constant 0 : i32
        %dma_start3A_238 = tpu.memref_slice %arg6[%dma_start3A_236, %dma_start3A_237] : memref<128x32xf32, #tpu.memory_space<vmem>> -> memref<8x32xf32, #tpu.memory_space<vmem>>
        %dma_start3A_239 = arith.constant 0 : i32
        %dma_start3A_240 = tpu.memref_slice %arg3[%multiple_of3A_235, %dma_start3A_239] : memref<1000001x32xf32, #tpu.memory_space<hbm>> -> memref<8x32xf32, #tpu.memory_space<hbm>>
        %dma_start3A_241 = arith.constant 112 : i32
        %dma_start3A_242 = arith.constant 0 : i32
        %dma_start3A_243 = tpu.memref_slice %arg6[%dma_start3A_241, %dma_start3A_242] : memref<128x32xf32, #tpu.memory_space<vmem>> -> memref<8x32xf32, #tpu.memory_space<vmem>>
        %dma_start3A_244 = arith.constant 0 : i32
        %dma_start3A_245 = tpu.memref_slice %arg3[%multiple_of3A_235, %dma_start3A_244] : memref<1000001x32xf32, #tpu.memory_space<hbm>> -> memref<8x32xf32, #tpu.memory_space<hbm>>
        tpu.enqueue_dma source(%dma_start3A_245 : memref<8x32xf32, #tpu.memory_space<hbm>>) target(%dma_start3A_243 : memref<8x32xf32, #tpu.memory_space<vmem>>) target_semaphore(%arg8 : memref<!tpu.dma_semaphore, #tpu.memory_space<semaphore_mem>>)
        %slice3A_246 = vector.extract_strided_slice %get3A_25 {offsets = [15], sizes = [1], strides = [1]} : vector<16xi32> to vector<1xi32>
        %squeeze3A_247 = vector.extract %slice3A_246[0] : i32 from vector<1xi32>
        %and3A_248 = arith.constant -8 : i32
        %and3A_249 = arith.andi %squeeze3A_247, %and3A_248 : i32
        %multiple_of3A_250 = tpu.assume_multiple %and3A_249, 8 : i32
        %dma_start3A_251 = arith.constant 120 : i32
        %dma_start3A_252 = arith.constant 0 : i32
        %dma_start3A_253 = tpu.memref_slice %arg6[%dma_start3A_251, %dma_start3A_252] : memref<128x32xf32, #tpu.memory_space<vmem>> -> memref<8x32xf32, #tpu.memory_space<vmem>>
        %dma_start3A_254 = arith.constant 0 : i32
        %dma_start3A_255 = tpu.memref_slice %arg3[%multiple_of3A_250, %dma_start3A_254] : memref<1000001x32xf32, #tpu.memory_space<hbm>> -> memref<8x32xf32, #tpu.memory_space<hbm>>
        %dma_start3A_256 = arith.constant 120 : i32
        %dma_start3A_257 = arith.constant 0 : i32
        %dma_start3A_258 = tpu.memref_slice %arg6[%dma_start3A_256, %dma_start3A_257] : memref<128x32xf32, #tpu.memory_space<vmem>> -> memref<8x32xf32, #tpu.memory_space<vmem>>
        %dma_start3A_259 = arith.constant 0 : i32
        %dma_start3A_260 = tpu.memref_slice %arg3[%multiple_of3A_250, %dma_start3A_259] : memref<1000001x32xf32, #tpu.memory_space<hbm>> -> memref<8x32xf32, #tpu.memory_space<hbm>>
        tpu.enqueue_dma source(%dma_start3A_260 : memref<8x32xf32, #tpu.memory_space<hbm>>) target(%dma_start3A_258 : memref<8x32xf32, #tpu.memory_space<vmem>>) target_semaphore(%arg8 : memref<!tpu.dma_semaphore, #tpu.memory_space<semaphore_mem>>)
        %dma_wait3A = arith.constant 0 : i32
        %dma_wait3A_261 = arith.constant 0 : i32
        %dma_wait3A_262 = tpu.memref_slice %arg6[%dma_wait3A, %dma_wait3A_261] : memref<128x32xf32, #tpu.memory_space<vmem>> -> memref<8x32xf32, #tpu.memory_space<vmem>>
        %dma_wait3A_263 = arith.constant 0 : i32
        %dma_wait3A_264 = tpu.memref_slice %arg3[%multiple_of3A, %dma_wait3A_263] : memref<1000001x32xf32, #tpu.memory_space<hbm>> -> memref<8x32xf32, #tpu.memory_space<hbm>>
        %dma_wait3A_265 = arith.constant 0 : i32
        %dma_wait3A_266 = arith.constant 0 : i32
        %dma_wait3A_267 = tpu.memref_slice %arg6[%dma_wait3A_265, %dma_wait3A_266] : memref<128x32xf32, #tpu.memory_space<vmem>> -> memref<8x32xf32, #tpu.memory_space<vmem>>
        %dma_wait3A_268 = arith.constant 0 : i32
        %dma_wait3A_269 = tpu.memref_slice %arg3[%multiple_of3A, %dma_wait3A_268] : memref<1000001x32xf32, #tpu.memory_space<hbm>> -> memref<8x32xf32, #tpu.memory_space<hbm>>
        tpu.wait_dma2 semaphore(%arg8 : memref<!tpu.dma_semaphore, #tpu.memory_space<semaphore_mem>>) src(%dma_wait3A_269 : memref<8x32xf32, #tpu.memory_space<hbm>>) dst(%dma_wait3A_267 : memref<8x32xf32, #tpu.memory_space<vmem>>)
        %dma_wait3A_270 = arith.constant 8 : i32
        %dma_wait3A_271 = arith.constant 0 : i32
        %dma_wait3A_272 = tpu.memref_slice %arg6[%dma_wait3A_270, %dma_wait3A_271] : memref<128x32xf32, #tpu.memory_space<vmem>> -> memref<8x32xf32, #tpu.memory_space<vmem>>
        %dma_wait3A_273 = arith.constant 0 : i32
        %dma_wait3A_274 = tpu.memref_slice %arg3[%multiple_of3A_40, %dma_wait3A_273] : memref<1000001x32xf32, #tpu.memory_space<hbm>> -> memref<8x32xf32, #tpu.memory_space<hbm>>
        %dma_wait3A_275 = arith.constant 8 : i32
        %dma_wait3A_276 = arith.constant 0 : i32
        %dma_wait3A_277 = tpu.memref_slice %arg6[%dma_wait3A_275, %dma_wait3A_276] : memref<128x32xf32, #tpu.memory_space<vmem>> -> memref<8x32xf32, #tpu.memory_space<vmem>>
        %dma_wait3A_278 = arith.constant 0 : i32
        %dma_wait3A_279 = tpu.memref_slice %arg3[%multiple_of3A_40, %dma_wait3A_278] : memref<1000001x32xf32, #tpu.memory_space<hbm>> -> memref<8x32xf32, #tpu.memory_space<hbm>>
        tpu.wait_dma2 semaphore(%arg8 : memref<!tpu.dma_semaphore, #tpu.memory_space<semaphore_mem>>) src(%dma_wait3A_279 : memref<8x32xf32, #tpu.memory_space<hbm>>) dst(%dma_wait3A_277 : memref<8x32xf32, #tpu.memory_space<vmem>>)
        %dma_wait3A_280 = arith.constant 16 : i32
        %dma_wait3A_281 = arith.constant 0 : i32
        %dma_wait3A_282 = tpu.memref_slice %arg6[%dma_wait3A_280, %dma_wait3A_281] : memref<128x32xf32, #tpu.memory_space<vmem>> -> memref<8x32xf32, #tpu.memory_space<vmem>>
        %dma_wait3A_283 = arith.constant 0 : i32
        %dma_wait3A_284 = tpu.memref_slice %arg3[%multiple_of3A_55, %dma_wait3A_283] : memref<1000001x32xf32, #tpu.memory_space<hbm>> -> memref<8x32xf32, #tpu.memory_space<hbm>>
        %dma_wait3A_285 = arith.constant 16 : i32
        %dma_wait3A_286 = arith.constant 0 : i32
        %dma_wait3A_287 = tpu.memref_slice %arg6[%dma_wait3A_285, %dma_wait3A_286] : memref<128x32xf32, #tpu.memory_space<vmem>> -> memref<8x32xf32, #tpu.memory_space<vmem>>
        %dma_wait3A_288 = arith.constant 0 : i32
        %dma_wait3A_289 = tpu.memref_slice %arg3[%multiple_of3A_55, %dma_wait3A_288] : memref<1000001x32xf32, #tpu.memory_space<hbm>> -> memref<8x32xf32, #tpu.memory_space<hbm>>
        tpu.wait_dma2 semaphore(%arg8 : memref<!tpu.dma_semaphore, #tpu.memory_space<semaphore_mem>>) src(%dma_wait3A_289 : memref<8x32xf32, #tpu.memory_space<hbm>>) dst(%dma_wait3A_287 : memref<8x32xf32, #tpu.memory_space<vmem>>)
        %dma_wait3A_290 = arith.constant 24 : i32
        %dma_wait3A_291 = arith.constant 0 : i32
        %dma_wait3A_292 = tpu.memref_slice %arg6[%dma_wait3A_290, %dma_wait3A_291] : memref<128x32xf32, #tpu.memory_space<vmem>> -> memref<8x32xf32, #tpu.memory_space<vmem>>
        %dma_wait3A_293 = arith.constant 0 : i32
        %dma_wait3A_294 = tpu.memref_slice %arg3[%multiple_of3A_70, %dma_wait3A_293] : memref<1000001x32xf32, #tpu.memory_space<hbm>> -> memref<8x32xf32, #tpu.memory_space<hbm>>
        %dma_wait3A_295 = arith.constant 24 : i32
        %dma_wait3A_296 = arith.constant 0 : i32
        %dma_wait3A_297 = tpu.memref_slice %arg6[%dma_wait3A_295, %dma_wait3A_296] : memref<128x32xf32, #tpu.memory_space<vmem>> -> memref<8x32xf32, #tpu.memory_space<vmem>>
        %dma_wait3A_298 = arith.constant 0 : i32
        %dma_wait3A_299 = tpu.memref_slice %arg3[%multiple_of3A_70, %dma_wait3A_298] : memref<1000001x32xf32, #tpu.memory_space<hbm>> -> memref<8x32xf32, #tpu.memory_space<hbm>>
        tpu.wait_dma2 semaphore(%arg8 : memref<!tpu.dma_semaphore, #tpu.memory_space<semaphore_mem>>) src(%dma_wait3A_299 : memref<8x32xf32, #tpu.memory_space<hbm>>) dst(%dma_wait3A_297 : memref<8x32xf32, #tpu.memory_space<vmem>>)
        %dma_wait3A_300 = arith.constant 32 : i32
        %dma_wait3A_301 = arith.constant 0 : i32
        %dma_wait3A_302 = tpu.memref_slice %arg6[%dma_wait3A_300, %dma_wait3A_301] : memref<128x32xf32, #tpu.memory_space<vmem>> -> memref<8x32xf32, #tpu.memory_space<vmem>>
        %dma_wait3A_303 = arith.constant 0 : i32
        %dma_wait3A_304 = tpu.memref_slice %arg3[%multiple_of3A_85, %dma_wait3A_303] : memref<1000001x32xf32, #tpu.memory_space<hbm>> -> memref<8x32xf32, #tpu.memory_space<hbm>>
        %dma_wait3A_305 = arith.constant 32 : i32
        %dma_wait3A_306 = arith.constant 0 : i32
        %dma_wait3A_307 = tpu.memref_slice %arg6[%dma_wait3A_305, %dma_wait3A_306] : memref<128x32xf32, #tpu.memory_space<vmem>> -> memref<8x32xf32, #tpu.memory_space<vmem>>
        %dma_wait3A_308 = arith.constant 0 : i32
        %dma_wait3A_309 = tpu.memref_slice %arg3[%multiple_of3A_85, %dma_wait3A_308] : memref<1000001x32xf32, #tpu.memory_space<hbm>> -> memref<8x32xf32, #tpu.memory_space<hbm>>
        tpu.wait_dma2 semaphore(%arg8 : memref<!tpu.dma_semaphore, #tpu.memory_space<semaphore_mem>>) src(%dma_wait3A_309 : memref<8x32xf32, #tpu.memory_space<hbm>>) dst(%dma_wait3A_307 : memref<8x32xf32, #tpu.memory_space<vmem>>)
        %dma_wait3A_310 = arith.constant 40 : i32
        %dma_wait3A_311 = arith.constant 0 : i32
        %dma_wait3A_312 = tpu.memref_slice %arg6[%dma_wait3A_310, %dma_wait3A_311] : memref<128x32xf32, #tpu.memory_space<vmem>> -> memref<8x32xf32, #tpu.memory_space<vmem>>
        %dma_wait3A_313 = arith.constant 0 : i32
        %dma_wait3A_314 = tpu.memref_slice %arg3[%multiple_of3A_100, %dma_wait3A_313] : memref<1000001x32xf32, #tpu.memory_space<hbm>> -> memref<8x32xf32, #tpu.memory_space<hbm>>
        %dma_wait3A_315 = arith.constant 40 : i32
        %dma_wait3A_316 = arith.constant 0 : i32
        %dma_wait3A_317 = tpu.memref_slice %arg6[%dma_wait3A_315, %dma_wait3A_316] : memref<128x32xf32, #tpu.memory_space<vmem>> -> memref<8x32xf32, #tpu.memory_space<vmem>>
        %dma_wait3A_318 = arith.constant 0 : i32
        %dma_wait3A_319 = tpu.memref_slice %arg3[%multiple_of3A_100, %dma_wait3A_318] : memref<1000001x32xf32, #tpu.memory_space<hbm>> -> memref<8x32xf32, #tpu.memory_space<hbm>>
        tpu.wait_dma2 semaphore(%arg8 : memref<!tpu.dma_semaphore, #tpu.memory_space<semaphore_mem>>) src(%dma_wait3A_319 : memref<8x32xf32, #tpu.memory_space<hbm>>) dst(%dma_wait3A_317 : memref<8x32xf32, #tpu.memory_space<vmem>>)
        %dma_wait3A_320 = arith.constant 48 : i32
        %dma_wait3A_321 = arith.constant 0 : i32
        %dma_wait3A_322 = tpu.memref_slice %arg6[%dma_wait3A_320, %dma_wait3A_321] : memref<128x32xf32, #tpu.memory_space<vmem>> -> memref<8x32xf32, #tpu.memory_space<vmem>>
        %dma_wait3A_323 = arith.constant 0 : i32
        %dma_wait3A_324 = tpu.memref_slice %arg3[%multiple_of3A_115, %dma_wait3A_323] : memref<1000001x32xf32, #tpu.memory_space<hbm>> -> memref<8x32xf32, #tpu.memory_space<hbm>>
        %dma_wait3A_325 = arith.constant 48 : i32
        %dma_wait3A_326 = arith.constant 0 : i32
        %dma_wait3A_327 = tpu.memref_slice %arg6[%dma_wait3A_325, %dma_wait3A_326] : memref<128x32xf32, #tpu.memory_space<vmem>> -> memref<8x32xf32, #tpu.memory_space<vmem>>
        %dma_wait3A_328 = arith.constant 0 : i32
        %dma_wait3A_329 = tpu.memref_slice %arg3[%multiple_of3A_115, %dma_wait3A_328] : memref<1000001x32xf32, #tpu.memory_space<hbm>> -> memref<8x32xf32, #tpu.memory_space<hbm>>
        tpu.wait_dma2 semaphore(%arg8 : memref<!tpu.dma_semaphore, #tpu.memory_space<semaphore_mem>>) src(%dma_wait3A_329 : memref<8x32xf32, #tpu.memory_space<hbm>>) dst(%dma_wait3A_327 : memref<8x32xf32, #tpu.memory_space<vmem>>)
        %dma_wait3A_330 = arith.constant 56 : i32
        %dma_wait3A_331 = arith.constant 0 : i32
        %dma_wait3A_332 = tpu.memref_slice %arg6[%dma_wait3A_330, %dma_wait3A_331] : memref<128x32xf32, #tpu.memory_space<vmem>> -> memref<8x32xf32, #tpu.memory_space<vmem>>
        %dma_wait3A_333 = arith.constant 0 : i32
        %dma_wait3A_334 = tpu.memref_slice %arg3[%multiple_of3A_130, %dma_wait3A_333] : memref<1000001x32xf32, #tpu.memory_space<hbm>> -> memref<8x32xf32, #tpu.memory_space<hbm>>
        %dma_wait3A_335 = arith.constant 56 : i32
        %dma_wait3A_336 = arith.constant 0 : i32
        %dma_wait3A_337 = tpu.memref_slice %arg6[%dma_wait3A_335, %dma_wait3A_336] : memref<128x32xf32, #tpu.memory_space<vmem>> -> memref<8x32xf32, #tpu.memory_space<vmem>>
        %dma_wait3A_338 = arith.constant 0 : i32
        %dma_wait3A_339 = tpu.memref_slice %arg3[%multiple_of3A_130, %dma_wait3A_338] : memref<1000001x32xf32, #tpu.memory_space<hbm>> -> memref<8x32xf32, #tpu.memory_space<hbm>>
        tpu.wait_dma2 semaphore(%arg8 : memref<!tpu.dma_semaphore, #tpu.memory_space<semaphore_mem>>) src(%dma_wait3A_339 : memref<8x32xf32, #tpu.memory_space<hbm>>) dst(%dma_wait3A_337 : memref<8x32xf32, #tpu.memory_space<vmem>>)
        %dma_wait3A_340 = arith.constant 64 : i32
        %dma_wait3A_341 = arith.constant 0 : i32
        %dma_wait3A_342 = tpu.memref_slice %arg6[%dma_wait3A_340, %dma_wait3A_341] : memref<128x32xf32, #tpu.memory_space<vmem>> -> memref<8x32xf32, #tpu.memory_space<vmem>>
        %dma_wait3A_343 = arith.constant 0 : i32
        %dma_wait3A_344 = tpu.memref_slice %arg3[%multiple_of3A_145, %dma_wait3A_343] : memref<1000001x32xf32, #tpu.memory_space<hbm>> -> memref<8x32xf32, #tpu.memory_space<hbm>>
        %dma_wait3A_345 = arith.constant 64 : i32
        %dma_wait3A_346 = arith.constant 0 : i32
        %dma_wait3A_347 = tpu.memref_slice %arg6[%dma_wait3A_345, %dma_wait3A_346] : memref<128x32xf32, #tpu.memory_space<vmem>> -> memref<8x32xf32, #tpu.memory_space<vmem>>
        %dma_wait3A_348 = arith.constant 0 : i32
        %dma_wait3A_349 = tpu.memref_slice %arg3[%multiple_of3A_145, %dma_wait3A_348] : memref<1000001x32xf32, #tpu.memory_space<hbm>> -> memref<8x32xf32, #tpu.memory_space<hbm>>
        tpu.wait_dma2 semaphore(%arg8 : memref<!tpu.dma_semaphore, #tpu.memory_space<semaphore_mem>>) src(%dma_wait3A_349 : memref<8x32xf32, #tpu.memory_space<hbm>>) dst(%dma_wait3A_347 : memref<8x32xf32, #tpu.memory_space<vmem>>)
        %dma_wait3A_350 = arith.constant 72 : i32
        %dma_wait3A_351 = arith.constant 0 : i32
        %dma_wait3A_352 = tpu.memref_slice %arg6[%dma_wait3A_350, %dma_wait3A_351] : memref<128x32xf32, #tpu.memory_space<vmem>> -> memref<8x32xf32, #tpu.memory_space<vmem>>
        %dma_wait3A_353 = arith.constant 0 : i32
        %dma_wait3A_354 = tpu.memref_slice %arg3[%multiple_of3A_160, %dma_wait3A_353] : memref<1000001x32xf32, #tpu.memory_space<hbm>> -> memref<8x32xf32, #tpu.memory_space<hbm>>
        %dma_wait3A_355 = arith.constant 72 : i32
        %dma_wait3A_356 = arith.constant 0 : i32
        %dma_wait3A_357 = tpu.memref_slice %arg6[%dma_wait3A_355, %dma_wait3A_356] : memref<128x32xf32, #tpu.memory_space<vmem>> -> memref<8x32xf32, #tpu.memory_space<vmem>>
        %dma_wait3A_358 = arith.constant 0 : i32
        %dma_wait3A_359 = tpu.memref_slice %arg3[%multiple_of3A_160, %dma_wait3A_358] : memref<1000001x32xf32, #tpu.memory_space<hbm>> -> memref<8x32xf32, #tpu.memory_space<hbm>>
        tpu.wait_dma2 semaphore(%arg8 : memref<!tpu.dma_semaphore, #tpu.memory_space<semaphore_mem>>) src(%dma_wait3A_359 : memref<8x32xf32, #tpu.memory_space<hbm>>) dst(%dma_wait3A_357 : memref<8x32xf32, #tpu.memory_space<vmem>>)
        %dma_wait3A_360 = arith.constant 80 : i32
        %dma_wait3A_361 = arith.constant 0 : i32
        %dma_wait3A_362 = tpu.memref_slice %arg6[%dma_wait3A_360, %dma_wait3A_361] : memref<128x32xf32, #tpu.memory_space<vmem>> -> memref<8x32xf32, #tpu.memory_space<vmem>>
        %dma_wait3A_363 = arith.constant 0 : i32
        %dma_wait3A_364 = tpu.memref_slice %arg3[%multiple_of3A_175, %dma_wait3A_363] : memref<1000001x32xf32, #tpu.memory_space<hbm>> -> memref<8x32xf32, #tpu.memory_space<hbm>>
        %dma_wait3A_365 = arith.constant 80 : i32
        %dma_wait3A_366 = arith.constant 0 : i32
        %dma_wait3A_367 = tpu.memref_slice %arg6[%dma_wait3A_365, %dma_wait3A_366] : memref<128x32xf32, #tpu.memory_space<vmem>> -> memref<8x32xf32, #tpu.memory_space<vmem>>
        %dma_wait3A_368 = arith.constant 0 : i32
        %dma_wait3A_369 = tpu.memref_slice %arg3[%multiple_of3A_175, %dma_wait3A_368] : memref<1000001x32xf32, #tpu.memory_space<hbm>> -> memref<8x32xf32, #tpu.memory_space<hbm>>
        tpu.wait_dma2 semaphore(%arg8 : memref<!tpu.dma_semaphore, #tpu.memory_space<semaphore_mem>>) src(%dma_wait3A_369 : memref<8x32xf32, #tpu.memory_space<hbm>>) dst(%dma_wait3A_367 : memref<8x32xf32, #tpu.memory_space<vmem>>)
        %dma_wait3A_370 = arith.constant 88 : i32
        %dma_wait3A_371 = arith.constant 0 : i32
        %dma_wait3A_372 = tpu.memref_slice %arg6[%dma_wait3A_370, %dma_wait3A_371] : memref<128x32xf32, #tpu.memory_space<vmem>> -> memref<8x32xf32, #tpu.memory_space<vmem>>
        %dma_wait3A_373 = arith.constant 0 : i32
        %dma_wait3A_374 = tpu.memref_slice %arg3[%multiple_of3A_190, %dma_wait3A_373] : memref<1000001x32xf32, #tpu.memory_space<hbm>> -> memref<8x32xf32, #tpu.memory_space<hbm>>
        %dma_wait3A_375 = arith.constant 88 : i32
        %dma_wait3A_376 = arith.constant 0 : i32
        %dma_wait3A_377 = tpu.memref_slice %arg6[%dma_wait3A_375, %dma_wait3A_376] : memref<128x32xf32, #tpu.memory_space<vmem>> -> memref<8x32xf32, #tpu.memory_space<vmem>>
        %dma_wait3A_378 = arith.constant 0 : i32
        %dma_wait3A_379 = tpu.memref_slice %arg3[%multiple_of3A_190, %dma_wait3A_378] : memref<1000001x32xf32, #tpu.memory_space<hbm>> -> memref<8x32xf32, #tpu.memory_space<hbm>>
        tpu.wait_dma2 semaphore(%arg8 : memref<!tpu.dma_semaphore, #tpu.memory_space<semaphore_mem>>) src(%dma_wait3A_379 : memref<8x32xf32, #tpu.memory_space<hbm>>) dst(%dma_wait3A_377 : memref<8x32xf32, #tpu.memory_space<vmem>>)
        %dma_wait3A_380 = arith.constant 96 : i32
        %dma_wait3A_381 = arith.constant 0 : i32
        %dma_wait3A_382 = tpu.memref_slice %arg6[%dma_wait3A_380, %dma_wait3A_381] : memref<128x32xf32, #tpu.memory_space<vmem>> -> memref<8x32xf32, #tpu.memory_space<vmem>>
        %dma_wait3A_383 = arith.constant 0 : i32
        %dma_wait3A_384 = tpu.memref_slice %arg3[%multiple_of3A_205, %dma_wait3A_383] : memref<1000001x32xf32, #tpu.memory_space<hbm>> -> memref<8x32xf32, #tpu.memory_space<hbm>>
        %dma_wait3A_385 = arith.constant 96 : i32
        %dma_wait3A_386 = arith.constant 0 : i32
        %dma_wait3A_387 = tpu.memref_slice %arg6[%dma_wait3A_385, %dma_wait3A_386] : memref<128x32xf32, #tpu.memory_space<vmem>> -> memref<8x32xf32, #tpu.memory_space<vmem>>
        %dma_wait3A_388 = arith.constant 0 : i32
        %dma_wait3A_389 = tpu.memref_slice %arg3[%multiple_of3A_205, %dma_wait3A_388] : memref<1000001x32xf32, #tpu.memory_space<hbm>> -> memref<8x32xf32, #tpu.memory_space<hbm>>
        tpu.wait_dma2 semaphore(%arg8 : memref<!tpu.dma_semaphore, #tpu.memory_space<semaphore_mem>>) src(%dma_wait3A_389 : memref<8x32xf32, #tpu.memory_space<hbm>>) dst(%dma_wait3A_387 : memref<8x32xf32, #tpu.memory_space<vmem>>)
        %dma_wait3A_390 = arith.constant 104 : i32
        %dma_wait3A_391 = arith.constant 0 : i32
        %dma_wait3A_392 = tpu.memref_slice %arg6[%dma_wait3A_390, %dma_wait3A_391] : memref<128x32xf32, #tpu.memory_space<vmem>> -> memref<8x32xf32, #tpu.memory_space<vmem>>
        %dma_wait3A_393 = arith.constant 0 : i32
        %dma_wait3A_394 = tpu.memref_slice %arg3[%multiple_of3A_220, %dma_wait3A_393] : memref<1000001x32xf32, #tpu.memory_space<hbm>> -> memref<8x32xf32, #tpu.memory_space<hbm>>
        %dma_wait3A_395 = arith.constant 104 : i32
        %dma_wait3A_396 = arith.constant 0 : i32
        %dma_wait3A_397 = tpu.memref_slice %arg6[%dma_wait3A_395, %dma_wait3A_396] : memref<128x32xf32, #tpu.memory_space<vmem>> -> memref<8x32xf32, #tpu.memory_space<vmem>>
        %dma_wait3A_398 = arith.constant 0 : i32
        %dma_wait3A_399 = tpu.memref_slice %arg3[%multiple_of3A_220, %dma_wait3A_398] : memref<1000001x32xf32, #tpu.memory_space<hbm>> -> memref<8x32xf32, #tpu.memory_space<hbm>>
        tpu.wait_dma2 semaphore(%arg8 : memref<!tpu.dma_semaphore, #tpu.memory_space<semaphore_mem>>) src(%dma_wait3A_399 : memref<8x32xf32, #tpu.memory_space<hbm>>) dst(%dma_wait3A_397 : memref<8x32xf32, #tpu.memory_space<vmem>>)
        %dma_wait3A_400 = arith.constant 112 : i32
        %dma_wait3A_401 = arith.constant 0 : i32
        %dma_wait3A_402 = tpu.memref_slice %arg6[%dma_wait3A_400, %dma_wait3A_401] : memref<128x32xf32, #tpu.memory_space<vmem>> -> memref<8x32xf32, #tpu.memory_space<vmem>>
        %dma_wait3A_403 = arith.constant 0 : i32
        %dma_wait3A_404 = tpu.memref_slice %arg3[%multiple_of3A_235, %dma_wait3A_403] : memref<1000001x32xf32, #tpu.memory_space<hbm>> -> memref<8x32xf32, #tpu.memory_space<hbm>>
        %dma_wait3A_405 = arith.constant 112 : i32
        %dma_wait3A_406 = arith.constant 0 : i32
        %dma_wait3A_407 = tpu.memref_slice %arg6[%dma_wait3A_405, %dma_wait3A_406] : memref<128x32xf32, #tpu.memory_space<vmem>> -> memref<8x32xf32, #tpu.memory_space<vmem>>
        %dma_wait3A_408 = arith.constant 0 : i32
        %dma_wait3A_409 = tpu.memref_slice %arg3[%multiple_of3A_235, %dma_wait3A_408] : memref<1000001x32xf32, #tpu.memory_space<hbm>> -> memref<8x32xf32, #tpu.memory_space<hbm>>
        tpu.wait_dma2 semaphore(%arg8 : memref<!tpu.dma_semaphore, #tpu.memory_space<semaphore_mem>>) src(%dma_wait3A_409 : memref<8x32xf32, #tpu.memory_space<hbm>>) dst(%dma_wait3A_407 : memref<8x32xf32, #tpu.memory_space<vmem>>)
        %dma_wait3A_410 = arith.constant 120 : i32
        %dma_wait3A_411 = arith.constant 0 : i32
        %dma_wait3A_412 = tpu.memref_slice %arg6[%dma_wait3A_410, %dma_wait3A_411] : memref<128x32xf32, #tpu.memory_space<vmem>> -> memref<8x32xf32, #tpu.memory_space<vmem>>
        %dma_wait3A_413 = arith.constant 0 : i32
        %dma_wait3A_414 = tpu.memref_slice %arg3[%multiple_of3A_250, %dma_wait3A_413] : memref<1000001x32xf32, #tpu.memory_space<hbm>> -> memref<8x32xf32, #tpu.memory_space<hbm>>
        %dma_wait3A_415 = arith.constant 120 : i32
        %dma_wait3A_416 = arith.constant 0 : i32
        %dma_wait3A_417 = tpu.memref_slice %arg6[%dma_wait3A_415, %dma_wait3A_416] : memref<128x32xf32, #tpu.memory_space<vmem>> -> memref<8x32xf32, #tpu.memory_space<vmem>>
        %dma_wait3A_418 = arith.constant 0 : i32
        %dma_wait3A_419 = tpu.memref_slice %arg3[%multiple_of3A_250, %dma_wait3A_418] : memref<1000001x32xf32, #tpu.memory_space<hbm>> -> memref<8x32xf32, #tpu.memory_space<hbm>>
        tpu.wait_dma2 semaphore(%arg8 : memref<!tpu.dma_semaphore, #tpu.memory_space<semaphore_mem>>) src(%dma_wait3A_419 : memref<8x32xf32, #tpu.memory_space<hbm>>) dst(%dma_wait3A_417 : memref<8x32xf32, #tpu.memory_space<vmem>>)
        %and3A_420 = arith.constant 7 : i32
        %and3A_421 = arith.andi %squeeze3A, %and3A_420 : i32
        %add3A_422 = arith.constant 0 : i32
        %add3A_423 = arith.addi %add3A_422, %and3A_421 : i32
        %mul3A_424 = arith.constant 16 : i32
        %mul3A_425 = arith.muli %scan3A_18, %mul3A_424 : i32
        %add3A_426 = arith.constant 0 : i32
        %add3A_427 = arith.addi %mul3A_425, %add3A_426 : i32
        %get3A_428 = arith.index_cast %add3A_423 : i32 to index
        %get3A_429 = arith.constant 0 : index
        %get3A_430 = tpu.vector_load %arg6[%get3A_428, %get3A_429] {strides = array<i32>} : memref<128x32xf32, #tpu.memory_space<vmem>>, vector<1x16xf32>,
        %get3A_431 = vector.shape_cast %get3A_430 : vector<1x16xf32> to vector<16xf32>
        %swap3A = arith.index_cast %add3A_427 : i32 to index
        %swap3A_432 = arith.constant 0 : index
        %swap3A_433 = tpu.vector_load %arg7[%swap3A, %swap3A_432] {strides = array<i32>} : memref<128x128xf32, #tpu.memory_space<vmem>>, vector<1x16xf32>,
        %swap3A_434 = vector.shape_cast %swap3A_433 : vector<1x16xf32> to vector<16xf32>
        %swap3A_435 = vector.shape_cast %get3A_431 : vector<16xf32> to vector<1x16xf32>
        tpu.vector_store %arg7[%swap3A, %swap3A_432], %swap3A_435 {strides = array<i32>} : memref<128x128xf32, #tpu.memory_space<vmem>>, vector<1x16xf32>,
        %get3A_436 = arith.index_cast %add3A_423 : i32 to index
        %get3A_437 = arith.constant 16 : index
        %get3A_438 = tpu.vector_load %arg6[%get3A_436, %get3A_437] {strides = array<i32>} : memref<128x32xf32, #tpu.memory_space<vmem>>, vector<1x16xf32>,
        %get3A_439 = vector.shape_cast %get3A_438 : vector<1x16xf32> to vector<16xf32>
        %swap3A_440 = arith.index_cast %add3A_427 : i32 to index
        %swap3A_441 = arith.constant 16 : index
        %swap3A_442 = tpu.vector_load %arg7[%swap3A_440, %swap3A_441] {strides = array<i32>} : memref<128x128xf32, #tpu.memory_space<vmem>>, vector<1x16xf32>,
        %swap3A_443 = vector.shape_cast %swap3A_442 : vector<1x16xf32> to vector<16xf32>
        %swap3A_444 = vector.shape_cast %get3A_439 : vector<16xf32> to vector<1x16xf32>
        tpu.vector_store %arg7[%swap3A_440, %swap3A_441], %swap3A_444 {strides = array<i32>} : memref<128x128xf32, #tpu.memory_space<vmem>>, vector<1x16xf32>,
        %and3A_445 = arith.constant 7 : i32
        %and3A_446 = arith.andi %squeeze3A_37, %and3A_445 : i32
        %add3A_447 = arith.constant 8 : i32
        %add3A_448 = arith.addi %add3A_447, %and3A_446 : i32
        %mul3A_449 = arith.constant 16 : i32
        %mul3A_450 = arith.muli %scan3A_18, %mul3A_449 : i32
        %add3A_451 = arith.constant 1 : i32
        %add3A_452 = arith.addi %mul3A_450, %add3A_451 : i32
        %get3A_453 = arith.index_cast %add3A_448 : i32 to index
        %get3A_454 = arith.constant 0 : index
        %get3A_455 = tpu.vector_load %arg6[%get3A_453, %get3A_454] {strides = array<i32>} : memref<128x32xf32, #tpu.memory_space<vmem>>, vector<1x16xf32>,
        %get3A_456 = vector.shape_cast %get3A_455 : vector<1x16xf32> to vector<16xf32>
        %swap3A_457 = arith.index_cast %add3A_452 : i32 to index
        %swap3A_458 = arith.constant 0 : index
        %swap3A_459 = tpu.vector_load %arg7[%swap3A_457, %swap3A_458] {strides = array<i32>} : memref<128x128xf32, #tpu.memory_space<vmem>>, vector<1x16xf32>,
        %swap3A_460 = vector.shape_cast %swap3A_459 : vector<1x16xf32> to vector<16xf32>
        %swap3A_461 = vector.shape_cast %get3A_456 : vector<16xf32> to vector<1x16xf32>
        tpu.vector_store %arg7[%swap3A_457, %swap3A_458], %swap3A_461 {strides = array<i32>} : memref<128x128xf32, #tpu.memory_space<vmem>>, vector<1x16xf32>,
        %get3A_462 = arith.index_cast %add3A_448 : i32 to index
        %get3A_463 = arith.constant 16 : index
        %get3A_464 = tpu.vector_load %arg6[%get3A_462, %get3A_463] {strides = array<i32>} : memref<128x32xf32, #tpu.memory_space<vmem>>, vector<1x16xf32>,
        %get3A_465 = vector.shape_cast %get3A_464 : vector<1x16xf32> to vector<16xf32>
        %swap3A_466 = arith.index_cast %add3A_452 : i32 to index
        %swap3A_467 = arith.constant 16 : index
        %swap3A_468 = tpu.vector_load %arg7[%swap3A_466, %swap3A_467] {strides = array<i32>} : memref<128x128xf32, #tpu.memory_space<vmem>>, vector<1x16xf32>,
        %swap3A_469 = vector.shape_cast %swap3A_468 : vector<1x16xf32> to vector<16xf32>
        %swap3A_470 = vector.shape_cast %get3A_465 : vector<16xf32> to vector<1x16xf32>
        tpu.vector_store %arg7[%swap3A_466, %swap3A_467], %swap3A_470 {strides = array<i32>} : memref<128x128xf32, #tpu.memory_space<vmem>>, vector<1x16xf32>,
        %and3A_471 = arith.constant 7 : i32
        %and3A_472 = arith.andi %squeeze3A_52, %and3A_471 : i32
        %add3A_473 = arith.constant 16 : i32
        %add3A_474 = arith.addi %add3A_473, %and3A_472 : i32
        %mul3A_475 = arith.constant 16 : i32
        %mul3A_476 = arith.muli %scan3A_18, %mul3A_475 : i32
        %add3A_477 = arith.constant 2 : i32
        %add3A_478 = arith.addi %mul3A_476, %add3A_477 : i32
        %get3A_479 = arith.index_cast %add3A_474 : i32 to index
        %get3A_480 = arith.constant 0 : index
        %get3A_481 = tpu.vector_load %arg6[%get3A_479, %get3A_480] {strides = array<i32>} : memref<128x32xf32, #tpu.memory_space<vmem>>, vector<1x16xf32>,
        %get3A_482 = vector.shape_cast %get3A_481 : vector<1x16xf32> to vector<16xf32>
        %swap3A_483 = arith.index_cast %add3A_478 : i32 to index
        %swap3A_484 = arith.constant 0 : index
        %swap3A_485 = tpu.vector_load %arg7[%swap3A_483, %swap3A_484] {strides = array<i32>} : memref<128x128xf32, #tpu.memory_space<vmem>>, vector<1x16xf32>,
        %swap3A_486 = vector.shape_cast %swap3A_485 : vector<1x16xf32> to vector<16xf32>
        %swap3A_487 = vector.shape_cast %get3A_482 : vector<16xf32> to vector<1x16xf32>
        tpu.vector_store %arg7[%swap3A_483, %swap3A_484], %swap3A_487 {strides = array<i32>} : memref<128x128xf32, #tpu.memory_space<vmem>>, vector<1x16xf32>,
        %get3A_488 = arith.index_cast %add3A_474 : i32 to index
        %get3A_489 = arith.constant 16 : index
        %get3A_490 = tpu.vector_load %arg6[%get3A_488, %get3A_489] {strides = array<i32>} : memref<128x32xf32, #tpu.memory_space<vmem>>, vector<1x16xf32>,
        %get3A_491 = vector.shape_cast %get3A_490 : vector<1x16xf32> to vector<16xf32>
        %swap3A_492 = arith.index_cast %add3A_478 : i32 to index
        %swap3A_493 = arith.constant 16 : index
        %swap3A_494 = tpu.vector_load %arg7[%swap3A_492, %swap3A_493] {strides = array<i32>} : memref<128x128xf32, #tpu.memory_space<vmem>>, vector<1x16xf32>,
        %swap3A_495 = vector.shape_cast %swap3A_494 : vector<1x16xf32> to vector<16xf32>
        %swap3A_496 = vector.shape_cast %get3A_491 : vector<16xf32> to vector<1x16xf32>
        tpu.vector_store %arg7[%swap3A_492, %swap3A_493], %swap3A_496 {strides = array<i32>} : memref<128x128xf32, #tpu.memory_space<vmem>>, vector<1x16xf32>,
        %and3A_497 = arith.constant 7 : i32
        %and3A_498 = arith.andi %squeeze3A_67, %and3A_497 : i32
        %add3A_499 = arith.constant 24 : i32
        %add3A_500 = arith.addi %add3A_499, %and3A_498 : i32
        %mul3A_501 = arith.constant 16 : i32
        %mul3A_502 = arith.muli %scan3A_18, %mul3A_501 : i32
        %add3A_503 = arith.constant 3 : i32
        %add3A_504 = arith.addi %mul3A_502, %add3A_503 : i32
        %get3A_505 = arith.index_cast %add3A_500 : i32 to index
        %get3A_506 = arith.constant 0 : index
        %get3A_507 = tpu.vector_load %arg6[%get3A_505, %get3A_506] {strides = array<i32>} : memref<128x32xf32, #tpu.memory_space<vmem>>, vector<1x16xf32>,
        %get3A_508 = vector.shape_cast %get3A_507 : vector<1x16xf32> to vector<16xf32>
        %swap3A_509 = arith.index_cast %add3A_504 : i32 to index
        %swap3A_510 = arith.constant 0 : index
        %swap3A_511 = tpu.vector_load %arg7[%swap3A_509, %swap3A_510] {strides = array<i32>} : memref<128x128xf32, #tpu.memory_space<vmem>>, vector<1x16xf32>,
        %swap3A_512 = vector.shape_cast %swap3A_511 : vector<1x16xf32> to vector<16xf32>
        %swap3A_513 = vector.shape_cast %get3A_508 : vector<16xf32> to vector<1x16xf32>
        tpu.vector_store %arg7[%swap3A_509, %swap3A_510], %swap3A_513 {strides = array<i32>} : memref<128x128xf32, #tpu.memory_space<vmem>>, vector<1x16xf32>,
        %get3A_514 = arith.index_cast %add3A_500 : i32 to index
        %get3A_515 = arith.constant 16 : index
        %get3A_516 = tpu.vector_load %arg6[%get3A_514, %get3A_515] {strides = array<i32>} : memref<128x32xf32, #tpu.memory_space<vmem>>, vector<1x16xf32>,
        %get3A_517 = vector.shape_cast %get3A_516 : vector<1x16xf32> to vector<16xf32>
        %swap3A_518 = arith.index_cast %add3A_504 : i32 to index
        %swap3A_519 = arith.constant 16 : index
        %swap3A_520 = tpu.vector_load %arg7[%swap3A_518, %swap3A_519] {strides = array<i32>} : memref<128x128xf32, #tpu.memory_space<vmem>>, vector<1x16xf32>,
        %swap3A_521 = vector.shape_cast %swap3A_520 : vector<1x16xf32> to vector<16xf32>
        %swap3A_522 = vector.shape_cast %get3A_517 : vector<16xf32> to vector<1x16xf32>
        tpu.vector_store %arg7[%swap3A_518, %swap3A_519], %swap3A_522 {strides = array<i32>} : memref<128x128xf32, #tpu.memory_space<vmem>>, vector<1x16xf32>,
        %and3A_523 = arith.constant 7 : i32
        %and3A_524 = arith.andi %squeeze3A_82, %and3A_523 : i32
        %add3A_525 = arith.constant 32 : i32
        %add3A_526 = arith.addi %add3A_525, %and3A_524 : i32
        %mul3A_527 = arith.constant 16 : i32
        %mul3A_528 = arith.muli %scan3A_18, %mul3A_527 : i32
        %add3A_529 = arith.constant 4 : i32
        %add3A_530 = arith.addi %mul3A_528, %add3A_529 : i32
        %get3A_531 = arith.index_cast %add3A_526 : i32 to index
        %get3A_532 = arith.constant 0 : index
        %get3A_533 = tpu.vector_load %arg6[%get3A_531, %get3A_532] {strides = array<i32>} : memref<128x32xf32, #tpu.memory_space<vmem>>, vector<1x16xf32>,
        %get3A_534 = vector.shape_cast %get3A_533 : vector<1x16xf32> to vector<16xf32>
        %swap3A_535 = arith.index_cast %add3A_530 : i32 to index
        %swap3A_536 = arith.constant 0 : index
        %swap3A_537 = tpu.vector_load %arg7[%swap3A_535, %swap3A_536] {strides = array<i32>} : memref<128x128xf32, #tpu.memory_space<vmem>>, vector<1x16xf32>,
        %swap3A_538 = vector.shape_cast %swap3A_537 : vector<1x16xf32> to vector<16xf32>
        %swap3A_539 = vector.shape_cast %get3A_534 : vector<16xf32> to vector<1x16xf32>
        tpu.vector_store %arg7[%swap3A_535, %swap3A_536], %swap3A_539 {strides = array<i32>} : memref<128x128xf32, #tpu.memory_space<vmem>>, vector<1x16xf32>,
        %get3A_540 = arith.index_cast %add3A_526 : i32 to index
        %get3A_541 = arith.constant 16 : index
        %get3A_542 = tpu.vector_load %arg6[%get3A_540, %get3A_541] {strides = array<i32>} : memref<128x32xf32, #tpu.memory_space<vmem>>, vector<1x16xf32>,
        %get3A_543 = vector.shape_cast %get3A_542 : vector<1x16xf32> to vector<16xf32>
        %swap3A_544 = arith.index_cast %add3A_530 : i32 to index
        %swap3A_545 = arith.constant 16 : index
        %swap3A_546 = tpu.vector_load %arg7[%swap3A_544, %swap3A_545] {strides = array<i32>} : memref<128x128xf32, #tpu.memory_space<vmem>>, vector<1x16xf32>,
        %swap3A_547 = vector.shape_cast %swap3A_546 : vector<1x16xf32> to vector<16xf32>
        %swap3A_548 = vector.shape_cast %get3A_543 : vector<16xf32> to vector<1x16xf32>
        tpu.vector_store %arg7[%swap3A_544, %swap3A_545], %swap3A_548 {strides = array<i32>} : memref<128x128xf32, #tpu.memory_space<vmem>>, vector<1x16xf32>,
        %and3A_549 = arith.constant 7 : i32
        %and3A_550 = arith.andi %squeeze3A_97, %and3A_549 : i32
        %add3A_551 = arith.constant 40 : i32
        %add3A_552 = arith.addi %add3A_551, %and3A_550 : i32
        %mul3A_553 = arith.constant 16 : i32
        %mul3A_554 = arith.muli %scan3A_18, %mul3A_553 : i32
        %add3A_555 = arith.constant 5 : i32
        %add3A_556 = arith.addi %mul3A_554, %add3A_555 : i32
        %get3A_557 = arith.index_cast %add3A_552 : i32 to index
        %get3A_558 = arith.constant 0 : index
        %get3A_559 = tpu.vector_load %arg6[%get3A_557, %get3A_558] {strides = array<i32>} : memref<128x32xf32, #tpu.memory_space<vmem>>, vector<1x16xf32>,
        %get3A_560 = vector.shape_cast %get3A_559 : vector<1x16xf32> to vector<16xf32>
        %swap3A_561 = arith.index_cast %add3A_556 : i32 to index
        %swap3A_562 = arith.constant 0 : index
        %swap3A_563 = tpu.vector_load %arg7[%swap3A_561, %swap3A_562] {strides = array<i32>} : memref<128x128xf32, #tpu.memory_space<vmem>>, vector<1x16xf32>,
        %swap3A_564 = vector.shape_cast %swap3A_563 : vector<1x16xf32> to vector<16xf32>
        %swap3A_565 = vector.shape_cast %get3A_560 : vector<16xf32> to vector<1x16xf32>
        tpu.vector_store %arg7[%swap3A_561, %swap3A_562], %swap3A_565 {strides = array<i32>} : memref<128x128xf32, #tpu.memory_space<vmem>>, vector<1x16xf32>,
        %get3A_566 = arith.index_cast %add3A_552 : i32 to index
        %get3A_567 = arith.constant 16 : index
        %get3A_568 = tpu.vector_load %arg6[%get3A_566, %get3A_567] {strides = array<i32>} : memref<128x32xf32, #tpu.memory_space<vmem>>, vector<1x16xf32>,
        %get3A_569 = vector.shape_cast %get3A_568 : vector<1x16xf32> to vector<16xf32>
        %swap3A_570 = arith.index_cast %add3A_556 : i32 to index
        %swap3A_571 = arith.constant 16 : index
        %swap3A_572 = tpu.vector_load %arg7[%swap3A_570, %swap3A_571] {strides = array<i32>} : memref<128x128xf32, #tpu.memory_space<vmem>>, vector<1x16xf32>,
        %swap3A_573 = vector.shape_cast %swap3A_572 : vector<1x16xf32> to vector<16xf32>
        %swap3A_574 = vector.shape_cast %get3A_569 : vector<16xf32> to vector<1x16xf32>
        tpu.vector_store %arg7[%swap3A_570, %swap3A_571], %swap3A_574 {strides = array<i32>} : memref<128x128xf32, #tpu.memory_space<vmem>>, vector<1x16xf32>,
        %and3A_575 = arith.constant 7 : i32
        %and3A_576 = arith.andi %squeeze3A_112, %and3A_575 : i32
        %add3A_577 = arith.constant 48 : i32
        %add3A_578 = arith.addi %add3A_577, %and3A_576 : i32
        %mul3A_579 = arith.constant 16 : i32
        %mul3A_580 = arith.muli %scan3A_18, %mul3A_579 : i32
        %add3A_581 = arith.constant 6 : i32
        %add3A_582 = arith.addi %mul3A_580, %add3A_581 : i32
        %get3A_583 = arith.index_cast %add3A_578 : i32 to index
        %get3A_584 = arith.constant 0 : index
        %get3A_585 = tpu.vector_load %arg6[%get3A_583, %get3A_584] {strides = array<i32>} : memref<128x32xf32, #tpu.memory_space<vmem>>, vector<1x16xf32>,
        %get3A_586 = vector.shape_cast %get3A_585 : vector<1x16xf32> to vector<16xf32>
        %swap3A_587 = arith.index_cast %add3A_582 : i32 to index
        %swap3A_588 = arith.constant 0 : index
        %swap3A_589 = tpu.vector_load %arg7[%swap3A_587, %swap3A_588] {strides = array<i32>} : memref<128x128xf32, #tpu.memory_space<vmem>>, vector<1x16xf32>,
        %swap3A_590 = vector.shape_cast %swap3A_589 : vector<1x16xf32> to vector<16xf32>
        %swap3A_591 = vector.shape_cast %get3A_586 : vector<16xf32> to vector<1x16xf32>
        tpu.vector_store %arg7[%swap3A_587, %swap3A_588], %swap3A_591 {strides = array<i32>} : memref<128x128xf32, #tpu.memory_space<vmem>>, vector<1x16xf32>,
        %get3A_592 = arith.index_cast %add3A_578 : i32 to index
        %get3A_593 = arith.constant 16 : index
        %get3A_594 = tpu.vector_load %arg6[%get3A_592, %get3A_593] {strides = array<i32>} : memref<128x32xf32, #tpu.memory_space<vmem>>, vector<1x16xf32>,
        %get3A_595 = vector.shape_cast %get3A_594 : vector<1x16xf32> to vector<16xf32>
        %swap3A_596 = arith.index_cast %add3A_582 : i32 to index
        %swap3A_597 = arith.constant 16 : index
        %swap3A_598 = tpu.vector_load %arg7[%swap3A_596, %swap3A_597] {strides = array<i32>} : memref<128x128xf32, #tpu.memory_space<vmem>>, vector<1x16xf32>,
        %swap3A_599 = vector.shape_cast %swap3A_598 : vector<1x16xf32> to vector<16xf32>
        %swap3A_600 = vector.shape_cast %get3A_595 : vector<16xf32> to vector<1x16xf32>
        tpu.vector_store %arg7[%swap3A_596, %swap3A_597], %swap3A_600 {strides = array<i32>} : memref<128x128xf32, #tpu.memory_space<vmem>>, vector<1x16xf32>,
        %and3A_601 = arith.constant 7 : i32
        %and3A_602 = arith.andi %squeeze3A_127, %and3A_601 : i32
        %add3A_603 = arith.constant 56 : i32
        %add3A_604 = arith.addi %add3A_603, %and3A_602 : i32
        %mul3A_605 = arith.constant 16 : i32
        %mul3A_606 = arith.muli %scan3A_18, %mul3A_605 : i32
        %add3A_607 = arith.constant 7 : i32
        %add3A_608 = arith.addi %mul3A_606, %add3A_607 : i32
        %get3A_609 = arith.index_cast %add3A_604 : i32 to index
        %get3A_610 = arith.constant 0 : index
        %get3A_611 = tpu.vector_load %arg6[%get3A_609, %get3A_610] {strides = array<i32>} : memref<128x32xf32, #tpu.memory_space<vmem>>, vector<1x16xf32>,
        %get3A_612 = vector.shape_cast %get3A_611 : vector<1x16xf32> to vector<16xf32>
        %swap3A_613 = arith.index_cast %add3A_608 : i32 to index
        %swap3A_614 = arith.constant 0 : index
        %swap3A_615 = tpu.vector_load %arg7[%swap3A_613, %swap3A_614] {strides = array<i32>} : memref<128x128xf32, #tpu.memory_space<vmem>>, vector<1x16xf32>,
        %swap3A_616 = vector.shape_cast %swap3A_615 : vector<1x16xf32> to vector<16xf32>
        %swap3A_617 = vector.shape_cast %get3A_612 : vector<16xf32> to vector<1x16xf32>
        tpu.vector_store %arg7[%swap3A_613, %swap3A_614], %swap3A_617 {strides = array<i32>} : memref<128x128xf32, #tpu.memory_space<vmem>>, vector<1x16xf32>,
        %get3A_618 = arith.index_cast %add3A_604 : i32 to index
        %get3A_619 = arith.constant 16 : index
        %get3A_620 = tpu.vector_load %arg6[%get3A_618, %get3A_619] {strides = array<i32>} : memref<128x32xf32, #tpu.memory_space<vmem>>, vector<1x16xf32>,
        %get3A_621 = vector.shape_cast %get3A_620 : vector<1x16xf32> to vector<16xf32>
        %swap3A_622 = arith.index_cast %add3A_608 : i32 to index
        %swap3A_623 = arith.constant 16 : index
        %swap3A_624 = tpu.vector_load %arg7[%swap3A_622, %swap3A_623] {strides = array<i32>} : memref<128x128xf32, #tpu.memory_space<vmem>>, vector<1x16xf32>,
        %swap3A_625 = vector.shape_cast %swap3A_624 : vector<1x16xf32> to vector<16xf32>
        %swap3A_626 = vector.shape_cast %get3A_621 : vector<16xf32> to vector<1x16xf32>
        tpu.vector_store %arg7[%swap3A_622, %swap3A_623], %swap3A_626 {strides = array<i32>} : memref<128x128xf32, #tpu.memory_space<vmem>>, vector<1x16xf32>,
        %and3A_627 = arith.constant 7 : i32
        %and3A_628 = arith.andi %squeeze3A_142, %and3A_627 : i32
        %add3A_629 = arith.constant 64 : i32
        %add3A_630 = arith.addi %add3A_629, %and3A_628 : i32
        %mul3A_631 = arith.constant 16 : i32
        %mul3A_632 = arith.muli %scan3A_18, %mul3A_631 : i32
        %add3A_633 = arith.constant 8 : i32
        %add3A_634 = arith.addi %mul3A_632, %add3A_633 : i32
        %get3A_635 = arith.index_cast %add3A_630 : i32 to index
        %get3A_636 = arith.constant 0 : index
        %get3A_637 = tpu.vector_load %arg6[%get3A_635, %get3A_636] {strides = array<i32>} : memref<128x32xf32, #tpu.memory_space<vmem>>, vector<1x16xf32>,
        %get3A_638 = vector.shape_cast %get3A_637 : vector<1x16xf32> to vector<16xf32>
        %swap3A_639 = arith.index_cast %add3A_634 : i32 to index
        %swap3A_640 = arith.constant 0 : index
        %swap3A_641 = tpu.vector_load %arg7[%swap3A_639, %swap3A_640] {strides = array<i32>} : memref<128x128xf32, #tpu.memory_space<vmem>>, vector<1x16xf32>,
        %swap3A_642 = vector.shape_cast %swap3A_641 : vector<1x16xf32> to vector<16xf32>
        %swap3A_643 = vector.shape_cast %get3A_638 : vector<16xf32> to vector<1x16xf32>
        tpu.vector_store %arg7[%swap3A_639, %swap3A_640], %swap3A_643 {strides = array<i32>} : memref<128x128xf32, #tpu.memory_space<vmem>>, vector<1x16xf32>,
        %get3A_644 = arith.index_cast %add3A_630 : i32 to index
        %get3A_645 = arith.constant 16 : index
        %get3A_646 = tpu.vector_load %arg6[%get3A_644, %get3A_645] {strides = array<i32>} : memref<128x32xf32, #tpu.memory_space<vmem>>, vector<1x16xf32>,
        %get3A_647 = vector.shape_cast %get3A_646 : vector<1x16xf32> to vector<16xf32>
        %swap3A_648 = arith.index_cast %add3A_634 : i32 to index
        %swap3A_649 = arith.constant 16 : index
        %swap3A_650 = tpu.vector_load %arg7[%swap3A_648, %swap3A_649] {strides = array<i32>} : memref<128x128xf32, #tpu.memory_space<vmem>>, vector<1x16xf32>,
        %swap3A_651 = vector.shape_cast %swap3A_650 : vector<1x16xf32> to vector<16xf32>
        %swap3A_652 = vector.shape_cast %get3A_647 : vector<16xf32> to vector<1x16xf32>
        tpu.vector_store %arg7[%swap3A_648, %swap3A_649], %swap3A_652 {strides = array<i32>} : memref<128x128xf32, #tpu.memory_space<vmem>>, vector<1x16xf32>,
        %and3A_653 = arith.constant 7 : i32
        %and3A_654 = arith.andi %squeeze3A_157, %and3A_653 : i32
        %add3A_655 = arith.constant 72 : i32
        %add3A_656 = arith.addi %add3A_655, %and3A_654 : i32
        %mul3A_657 = arith.constant 16 : i32
        %mul3A_658 = arith.muli %scan3A_18, %mul3A_657 : i32
        %add3A_659 = arith.constant 9 : i32
        %add3A_660 = arith.addi %mul3A_658, %add3A_659 : i32
        %get3A_661 = arith.index_cast %add3A_656 : i32 to index
        %get3A_662 = arith.constant 0 : index
        %get3A_663 = tpu.vector_load %arg6[%get3A_661, %get3A_662] {strides = array<i32>} : memref<128x32xf32, #tpu.memory_space<vmem>>, vector<1x16xf32>,
        %get3A_664 = vector.shape_cast %get3A_663 : vector<1x16xf32> to vector<16xf32>
        %swap3A_665 = arith.index_cast %add3A_660 : i32 to index
        %swap3A_666 = arith.constant 0 : index
        %swap3A_667 = tpu.vector_load %arg7[%swap3A_665, %swap3A_666] {strides = array<i32>} : memref<128x128xf32, #tpu.memory_space<vmem>>, vector<1x16xf32>,
        %swap3A_668 = vector.shape_cast %swap3A_667 : vector<1x16xf32> to vector<16xf32>
        %swap3A_669 = vector.shape_cast %get3A_664 : vector<16xf32> to vector<1x16xf32>
        tpu.vector_store %arg7[%swap3A_665, %swap3A_666], %swap3A_669 {strides = array<i32>} : memref<128x128xf32, #tpu.memory_space<vmem>>, vector<1x16xf32>,
        %get3A_670 = arith.index_cast %add3A_656 : i32 to index
        %get3A_671 = arith.constant 16 : index
        %get3A_672 = tpu.vector_load %arg6[%get3A_670, %get3A_671] {strides = array<i32>} : memref<128x32xf32, #tpu.memory_space<vmem>>, vector<1x16xf32>,
        %get3A_673 = vector.shape_cast %get3A_672 : vector<1x16xf32> to vector<16xf32>
        %swap3A_674 = arith.index_cast %add3A_660 : i32 to index
        %swap3A_675 = arith.constant 16 : index
        %swap3A_676 = tpu.vector_load %arg7[%swap3A_674, %swap3A_675] {strides = array<i32>} : memref<128x128xf32, #tpu.memory_space<vmem>>, vector<1x16xf32>,
        %swap3A_677 = vector.shape_cast %swap3A_676 : vector<1x16xf32> to vector<16xf32>
        %swap3A_678 = vector.shape_cast %get3A_673 : vector<16xf32> to vector<1x16xf32>
        tpu.vector_store %arg7[%swap3A_674, %swap3A_675], %swap3A_678 {strides = array<i32>} : memref<128x128xf32, #tpu.memory_space<vmem>>, vector<1x16xf32>,
        %and3A_679 = arith.constant 7 : i32
        %and3A_680 = arith.andi %squeeze3A_172, %and3A_679 : i32
        %add3A_681 = arith.constant 80 : i32
        %add3A_682 = arith.addi %add3A_681, %and3A_680 : i32
        %mul3A_683 = arith.constant 16 : i32
        %mul3A_684 = arith.muli %scan3A_18, %mul3A_683 : i32
        %add3A_685 = arith.constant 10 : i32
        %add3A_686 = arith.addi %mul3A_684, %add3A_685 : i32
        %get3A_687 = arith.index_cast %add3A_682 : i32 to index
        %get3A_688 = arith.constant 0 : index
        %get3A_689 = tpu.vector_load %arg6[%get3A_687, %get3A_688] {strides = array<i32>} : memref<128x32xf32, #tpu.memory_space<vmem>>, vector<1x16xf32>,
        %get3A_690 = vector.shape_cast %get3A_689 : vector<1x16xf32> to vector<16xf32>
        %swap3A_691 = arith.index_cast %add3A_686 : i32 to index
        %swap3A_692 = arith.constant 0 : index
        %swap3A_693 = tpu.vector_load %arg7[%swap3A_691, %swap3A_692] {strides = array<i32>} : memref<128x128xf32, #tpu.memory_space<vmem>>, vector<1x16xf32>,
        %swap3A_694 = vector.shape_cast %swap3A_693 : vector<1x16xf32> to vector<16xf32>
        %swap3A_695 = vector.shape_cast %get3A_690 : vector<16xf32> to vector<1x16xf32>
        tpu.vector_store %arg7[%swap3A_691, %swap3A_692], %swap3A_695 {strides = array<i32>} : memref<128x128xf32, #tpu.memory_space<vmem>>, vector<1x16xf32>,
        %get3A_696 = arith.index_cast %add3A_682 : i32 to index
        %get3A_697 = arith.constant 16 : index
        %get3A_698 = tpu.vector_load %arg6[%get3A_696, %get3A_697] {strides = array<i32>} : memref<128x32xf32, #tpu.memory_space<vmem>>, vector<1x16xf32>,
        %get3A_699 = vector.shape_cast %get3A_698 : vector<1x16xf32> to vector<16xf32>
        %swap3A_700 = arith.index_cast %add3A_686 : i32 to index
        %swap3A_701 = arith.constant 16 : index
        %swap3A_702 = tpu.vector_load %arg7[%swap3A_700, %swap3A_701] {strides = array<i32>} : memref<128x128xf32, #tpu.memory_space<vmem>>, vector<1x16xf32>,
        %swap3A_703 = vector.shape_cast %swap3A_702 : vector<1x16xf32> to vector<16xf32>
        %swap3A_704 = vector.shape_cast %get3A_699 : vector<16xf32> to vector<1x16xf32>
        tpu.vector_store %arg7[%swap3A_700, %swap3A_701], %swap3A_704 {strides = array<i32>} : memref<128x128xf32, #tpu.memory_space<vmem>>, vector<1x16xf32>,
        %and3A_705 = arith.constant 7 : i32
        %and3A_706 = arith.andi %squeeze3A_187, %and3A_705 : i32
        %add3A_707 = arith.constant 88 : i32
        %add3A_708 = arith.addi %add3A_707, %and3A_706 : i32
        %mul3A_709 = arith.constant 16 : i32
        %mul3A_710 = arith.muli %scan3A_18, %mul3A_709 : i32
        %add3A_711 = arith.constant 11 : i32
        %add3A_712 = arith.addi %mul3A_710, %add3A_711 : i32
        %get3A_713 = arith.index_cast %add3A_708 : i32 to index
        %get3A_714 = arith.constant 0 : index
        %get3A_715 = tpu.vector_load %arg6[%get3A_713, %get3A_714] {strides = array<i32>} : memref<128x32xf32, #tpu.memory_space<vmem>>, vector<1x16xf32>,
        %get3A_716 = vector.shape_cast %get3A_715 : vector<1x16xf32> to vector<16xf32>
        %swap3A_717 = arith.index_cast %add3A_712 : i32 to index
        %swap3A_718 = arith.constant 0 : index
        %swap3A_719 = tpu.vector_load %arg7[%swap3A_717, %swap3A_718] {strides = array<i32>} : memref<128x128xf32, #tpu.memory_space<vmem>>, vector<1x16xf32>,
        %swap3A_720 = vector.shape_cast %swap3A_719 : vector<1x16xf32> to vector<16xf32>
        %swap3A_721 = vector.shape_cast %get3A_716 : vector<16xf32> to vector<1x16xf32>
        tpu.vector_store %arg7[%swap3A_717, %swap3A_718], %swap3A_721 {strides = array<i32>} : memref<128x128xf32, #tpu.memory_space<vmem>>, vector<1x16xf32>,
        %get3A_722 = arith.index_cast %add3A_708 : i32 to index
        %get3A_723 = arith.constant 16 : index
        %get3A_724 = tpu.vector_load %arg6[%get3A_722, %get3A_723] {strides = array<i32>} : memref<128x32xf32, #tpu.memory_space<vmem>>, vector<1x16xf32>,
        %get3A_725 = vector.shape_cast %get3A_724 : vector<1x16xf32> to vector<16xf32>
        %swap3A_726 = arith.index_cast %add3A_712 : i32 to index
        %swap3A_727 = arith.constant 16 : index
        %swap3A_728 = tpu.vector_load %arg7[%swap3A_726, %swap3A_727] {strides = array<i32>} : memref<128x128xf32, #tpu.memory_space<vmem>>, vector<1x16xf32>,
        %swap3A_729 = vector.shape_cast %swap3A_728 : vector<1x16xf32> to vector<16xf32>
        %swap3A_730 = vector.shape_cast %get3A_725 : vector<16xf32> to vector<1x16xf32>
        tpu.vector_store %arg7[%swap3A_726, %swap3A_727], %swap3A_730 {strides = array<i32>} : memref<128x128xf32, #tpu.memory_space<vmem>>, vector<1x16xf32>,
        %and3A_731 = arith.constant 7 : i32
        %and3A_732 = arith.andi %squeeze3A_202, %and3A_731 : i32
        %add3A_733 = arith.constant 96 : i32
        %add3A_734 = arith.addi %add3A_733, %and3A_732 : i32
        %mul3A_735 = arith.constant 16 : i32
        %mul3A_736 = arith.muli %scan3A_18, %mul3A_735 : i32
        %add3A_737 = arith.constant 12 : i32
        %add3A_738 = arith.addi %mul3A_736, %add3A_737 : i32
        %get3A_739 = arith.index_cast %add3A_734 : i32 to index
        %get3A_740 = arith.constant 0 : index
        %get3A_741 = tpu.vector_load %arg6[%get3A_739, %get3A_740] {strides = array<i32>} : memref<128x32xf32, #tpu.memory_space<vmem>>, vector<1x16xf32>,
        %get3A_742 = vector.shape_cast %get3A_741 : vector<1x16xf32> to vector<16xf32>
        %swap3A_743 = arith.index_cast %add3A_738 : i32 to index
        %swap3A_744 = arith.constant 0 : index
        %swap3A_745 = tpu.vector_load %arg7[%swap3A_743, %swap3A_744] {strides = array<i32>} : memref<128x128xf32, #tpu.memory_space<vmem>>, vector<1x16xf32>,
        %swap3A_746 = vector.shape_cast %swap3A_745 : vector<1x16xf32> to vector<16xf32>
        %swap3A_747 = vector.shape_cast %get3A_742 : vector<16xf32> to vector<1x16xf32>
        tpu.vector_store %arg7[%swap3A_743, %swap3A_744], %swap3A_747 {strides = array<i32>} : memref<128x128xf32, #tpu.memory_space<vmem>>, vector<1x16xf32>,
        %get3A_748 = arith.index_cast %add3A_734 : i32 to index
        %get3A_749 = arith.constant 16 : index
        %get3A_750 = tpu.vector_load %arg6[%get3A_748, %get3A_749] {strides = array<i32>} : memref<128x32xf32, #tpu.memory_space<vmem>>, vector<1x16xf32>,
        %get3A_751 = vector.shape_cast %get3A_750 : vector<1x16xf32> to vector<16xf32>
        %swap3A_752 = arith.index_cast %add3A_738 : i32 to index
        %swap3A_753 = arith.constant 16 : index
        %swap3A_754 = tpu.vector_load %arg7[%swap3A_752, %swap3A_753] {strides = array<i32>} : memref<128x128xf32, #tpu.memory_space<vmem>>, vector<1x16xf32>,
        %swap3A_755 = vector.shape_cast %swap3A_754 : vector<1x16xf32> to vector<16xf32>
        %swap3A_756 = vector.shape_cast %get3A_751 : vector<16xf32> to vector<1x16xf32>
        tpu.vector_store %arg7[%swap3A_752, %swap3A_753], %swap3A_756 {strides = array<i32>} : memref<128x128xf32, #tpu.memory_space<vmem>>, vector<1x16xf32>,
        %and3A_757 = arith.constant 7 : i32
        %and3A_758 = arith.andi %squeeze3A_217, %and3A_757 : i32
        %add3A_759 = arith.constant 104 : i32
        %add3A_760 = arith.addi %add3A_759, %and3A_758 : i32
        %mul3A_761 = arith.constant 16 : i32
        %mul3A_762 = arith.muli %scan3A_18, %mul3A_761 : i32
        %add3A_763 = arith.constant 13 : i32
        %add3A_764 = arith.addi %mul3A_762, %add3A_763 : i32
        %get3A_765 = arith.index_cast %add3A_760 : i32 to index
        %get3A_766 = arith.constant 0 : index
        %get3A_767 = tpu.vector_load %arg6[%get3A_765, %get3A_766] {strides = array<i32>} : memref<128x32xf32, #tpu.memory_space<vmem>>, vector<1x16xf32>,
        %get3A_768 = vector.shape_cast %get3A_767 : vector<1x16xf32> to vector<16xf32>
        %swap3A_769 = arith.index_cast %add3A_764 : i32 to index
        %swap3A_770 = arith.constant 0 : index
        %swap3A_771 = tpu.vector_load %arg7[%swap3A_769, %swap3A_770] {strides = array<i32>} : memref<128x128xf32, #tpu.memory_space<vmem>>, vector<1x16xf32>,
        %swap3A_772 = vector.shape_cast %swap3A_771 : vector<1x16xf32> to vector<16xf32>
        %swap3A_773 = vector.shape_cast %get3A_768 : vector<16xf32> to vector<1x16xf32>
        tpu.vector_store %arg7[%swap3A_769, %swap3A_770], %swap3A_773 {strides = array<i32>} : memref<128x128xf32, #tpu.memory_space<vmem>>, vector<1x16xf32>,
        %get3A_774 = arith.index_cast %add3A_760 : i32 to index
        %get3A_775 = arith.constant 16 : index
        %get3A_776 = tpu.vector_load %arg6[%get3A_774, %get3A_775] {strides = array<i32>} : memref<128x32xf32, #tpu.memory_space<vmem>>, vector<1x16xf32>,
        %get3A_777 = vector.shape_cast %get3A_776 : vector<1x16xf32> to vector<16xf32>
        %swap3A_778 = arith.index_cast %add3A_764 : i32 to index
        %swap3A_779 = arith.constant 16 : index
        %swap3A_780 = tpu.vector_load %arg7[%swap3A_778, %swap3A_779] {strides = array<i32>} : memref<128x128xf32, #tpu.memory_space<vmem>>, vector<1x16xf32>,
        %swap3A_781 = vector.shape_cast %swap3A_780 : vector<1x16xf32> to vector<16xf32>
        %swap3A_782 = vector.shape_cast %get3A_777 : vector<16xf32> to vector<1x16xf32>
        tpu.vector_store %arg7[%swap3A_778, %swap3A_779], %swap3A_782 {strides = array<i32>} : memref<128x128xf32, #tpu.memory_space<vmem>>, vector<1x16xf32>,
        %and3A_783 = arith.constant 7 : i32
        %and3A_784 = arith.andi %squeeze3A_232, %and3A_783 : i32
        %add3A_785 = arith.constant 112 : i32
        %add3A_786 = arith.addi %add3A_785, %and3A_784 : i32
        %mul3A_787 = arith.constant 16 : i32
        %mul3A_788 = arith.muli %scan3A_18, %mul3A_787 : i32
        %add3A_789 = arith.constant 14 : i32
        %add3A_790 = arith.addi %mul3A_788, %add3A_789 : i32
        %get3A_791 = arith.index_cast %add3A_786 : i32 to index
        %get3A_792 = arith.constant 0 : index
        %get3A_793 = tpu.vector_load %arg6[%get3A_791, %get3A_792] {strides = array<i32>} : memref<128x32xf32, #tpu.memory_space<vmem>>, vector<1x16xf32>,
        %get3A_794 = vector.shape_cast %get3A_793 : vector<1x16xf32> to vector<16xf32>
        %swap3A_795 = arith.index_cast %add3A_790 : i32 to index
        %swap3A_796 = arith.constant 0 : index
        %swap3A_797 = tpu.vector_load %arg7[%swap3A_795, %swap3A_796] {strides = array<i32>} : memref<128x128xf32, #tpu.memory_space<vmem>>, vector<1x16xf32>,
        %swap3A_798 = vector.shape_cast %swap3A_797 : vector<1x16xf32> to vector<16xf32>
        %swap3A_799 = vector.shape_cast %get3A_794 : vector<16xf32> to vector<1x16xf32>
        tpu.vector_store %arg7[%swap3A_795, %swap3A_796], %swap3A_799 {strides = array<i32>} : memref<128x128xf32, #tpu.memory_space<vmem>>, vector<1x16xf32>,
        %get3A_800 = arith.index_cast %add3A_786 : i32 to index
        %get3A_801 = arith.constant 16 : index
        %get3A_802 = tpu.vector_load %arg6[%get3A_800, %get3A_801] {strides = array<i32>} : memref<128x32xf32, #tpu.memory_space<vmem>>, vector<1x16xf32>,
        %get3A_803 = vector.shape_cast %get3A_802 : vector<1x16xf32> to vector<16xf32>
        %swap3A_804 = arith.index_cast %add3A_790 : i32 to index
        %swap3A_805 = arith.constant 16 : index
        %swap3A_806 = tpu.vector_load %arg7[%swap3A_804, %swap3A_805] {strides = array<i32>} : memref<128x128xf32, #tpu.memory_space<vmem>>, vector<1x16xf32>,
        %swap3A_807 = vector.shape_cast %swap3A_806 : vector<1x16xf32> to vector<16xf32>
        %swap3A_808 = vector.shape_cast %get3A_803 : vector<16xf32> to vector<1x16xf32>
        tpu.vector_store %arg7[%swap3A_804, %swap3A_805], %swap3A_808 {strides = array<i32>} : memref<128x128xf32, #tpu.memory_space<vmem>>, vector<1x16xf32>,
        %and3A_809 = arith.constant 7 : i32
        %and3A_810 = arith.andi %squeeze3A_247, %and3A_809 : i32
        %add3A_811 = arith.constant 120 : i32
        %add3A_812 = arith.addi %add3A_811, %and3A_810 : i32
        %mul3A_813 = arith.constant 16 : i32
        %mul3A_814 = arith.muli %scan3A_18, %mul3A_813 : i32
        %add3A_815 = arith.constant 15 : i32
        %add3A_816 = arith.addi %mul3A_814, %add3A_815 : i32
        %get3A_817 = arith.index_cast %add3A_812 : i32 to index
        %get3A_818 = arith.constant 0 : index
        %get3A_819 = tpu.vector_load %arg6[%get3A_817, %get3A_818] {strides = array<i32>} : memref<128x32xf32, #tpu.memory_space<vmem>>, vector<1x16xf32>,
        %get3A_820 = vector.shape_cast %get3A_819 : vector<1x16xf32> to vector<16xf32>
        %swap3A_821 = arith.index_cast %add3A_816 : i32 to index
        %swap3A_822 = arith.constant 0 : index
        %swap3A_823 = tpu.vector_load %arg7[%swap3A_821, %swap3A_822] {strides = array<i32>} : memref<128x128xf32, #tpu.memory_space<vmem>>, vector<1x16xf32>,
        %swap3A_824 = vector.shape_cast %swap3A_823 : vector<1x16xf32> to vector<16xf32>
        %swap3A_825 = vector.shape_cast %get3A_820 : vector<16xf32> to vector<1x16xf32>
        tpu.vector_store %arg7[%swap3A_821, %swap3A_822], %swap3A_825 {strides = array<i32>} : memref<128x128xf32, #tpu.memory_space<vmem>>, vector<1x16xf32>,
        %get3A_826 = arith.index_cast %add3A_812 : i32 to index
        %get3A_827 = arith.constant 16 : index
        %get3A_828 = tpu.vector_load %arg6[%get3A_826, %get3A_827] {strides = array<i32>} : memref<128x32xf32, #tpu.memory_space<vmem>>, vector<1x16xf32>,
        %get3A_829 = vector.shape_cast %get3A_828 : vector<1x16xf32> to vector<16xf32>
        %swap3A_830 = arith.index_cast %add3A_816 : i32 to index
        %swap3A_831 = arith.constant 16 : index
        %swap3A_832 = tpu.vector_load %arg7[%swap3A_830, %swap3A_831] {strides = array<i32>} : memref<128x128xf32, #tpu.memory_space<vmem>>, vector<1x16xf32>,
        %swap3A_833 = vector.shape_cast %swap3A_832 : vector<1x16xf32> to vector<16xf32>
        %swap3A_834 = vector.shape_cast %get3A_829 : vector<16xf32> to vector<1x16xf32>
        tpu.vector_store %arg7[%swap3A_830, %swap3A_831], %swap3A_834 {strides = array<i32>} : memref<128x128xf32, #tpu.memory_space<vmem>>, vector<1x16xf32>,
      }
      %scan3A_14 = arith.constant 8 : i32
      %mul3A_15 = arith.constant 128 : i32
      %mul3A_16 = arith.muli %scan3A_8, %mul3A_15 : i32
      %add3A_17 = arith.addi %mul3A_2, %mul3A_16 : i32
      "tpu.region"() ({
        %run_scoped3A = tpu.sem_alloc : memref<!tpu.dma_semaphore, #tpu.memory_space<semaphore_mem>>
        %dma_start3A = arith.constant 0 : i32
        %dma_start3A_18 = tpu.memref_slice %arg4[%add3A_17, %dma_start3A] : memref<16384x128xf32, #tpu.memory_space<hbm>> -> memref<128x128xf32, #tpu.memory_space<hbm>>
        %dma_start3A_19 = arith.constant 0 : i32
        %dma_start3A_20 = tpu.memref_slice %arg4[%add3A_17, %dma_start3A_19] : memref<16384x128xf32, #tpu.memory_space<hbm>> -> memref<128x128xf32, #tpu.memory_space<hbm>>
        tpu.enqueue_dma source(%arg7 : memref<128x128xf32, #tpu.memory_space<vmem>>) target(%dma_start3A_20 : memref<128x128xf32, #tpu.memory_space<hbm>>) target_semaphore(%run_scoped3A : memref<!tpu.dma_semaphore, #tpu.memory_space<semaphore_mem>>)
        %dma_wait3A = arith.constant 0 : i32
        %dma_wait3A_21 = tpu.memref_slice %arg4[%add3A_17, %dma_wait3A] : memref<16384x128xf32, #tpu.memory_space<hbm>> -> memref<128x128xf32, #tpu.memory_space<hbm>>
        %dma_wait3A_22 = arith.constant 0 : i32
        %dma_wait3A_23 = tpu.memref_slice %arg4[%add3A_17, %dma_wait3A_22] : memref<16384x128xf32, #tpu.memory_space<hbm>> -> memref<128x128xf32, #tpu.memory_space<hbm>>
        tpu.wait_dma2 semaphore(%run_scoped3A : memref<!tpu.dma_semaphore, #tpu.memory_space<semaphore_mem>>) src(%arg7 : memref<128x128xf32, #tpu.memory_space<vmem>>) dst(%dma_wait3A_23 : memref<128x128xf32, #tpu.memory_space<hbm>>)
        tpu.yield
      }) : () -> ()
    }
    %scan3A_7 = arith.constant 4 : i32
    return
  }
}

</mosaic_0001>

<sc_bundles>
// kernel: kernel.4.cloned.1.call-start
scs
__scs_entry_jumppad:
0x0: {  	(pc) =	sbr.rel $0x88, $3  }
0x1: {  	(tag) =	ssettag $0x0;
	lr =	simm.s32 $0x1  }
0x2: {  	[smem:$0x3F9D] =	sst lr;
	_ =	strace $0xD0000000  }
0x3: {  	_ = 	snop  }
0x4: {  	_ = 	snop  }
0x5: {  	_ = 	snop  }
0x6: {  	_ = 	snop  }
0x7: {  	_ = 	snop  }
__scs_overlays_trampoline_lowered:
0x8: {  	[smem:$0x3FAC] =	sst s0  }
0x9: {  	[smem:$0x3FAD] =	sst s1  }
0xa: {  	[smem:$0x3FAE] =	sst s2  }
0xb: {  	[smem:$0x3FAF] =	sst s3  }
0xc: {  	[smem:$0x3FB0] =	sst s4  }
0xd: {  	[smem:$0x3FB1] =	sst s5  }
0xe: {  	[smem:$0x3FB2] =	sst s6  }
0xf: {  	[smem:$0x3FB3] =	sst s7  }
0x10: {  	[smem:$0x3FB4] =	sst s8  }
0x11: {  	[smem:$0x3FB5] =	sst s9;
	s0 =	simm.s32 @!p0 $0x0  }
0x12: {  	s1 =	sld [smem:$0x3F9B];
	s0 =	simm.s32 @p0 $0x1  }
0x13: {  	[smem:$0x3FB6] =	sst s0;
	s0 =	simm.s32 @!p1 $0x0  }
0x14: {  	s2 =	sld [smem:$0x3F9A];
	s0 =	simm.s32 @p1 $0x1  }
0x15: {  	[smem:$0x3FB7] =	sst s0;
	s0 =	simm.s32 @!p2 $0x0  }
0x16: {  	s3 =	sld [smem:$0x3FDB];
	s0 =	simm.s32 @p2 $0x1  }
0x17: {  	s4 =	simm.s32 $0x1BF5;
	[smem:$0x3FB9] =	sst s0  }
0x18: {  	s0 =	sld [smem:$0x3F9C];
	_ =	swait.ge [sflag:s4], $0x0  }
0x19: {  	s7 =	sld [smem:$0x3F9D]  }
0x1a: {  	s8 =	sadd.s32 $0xFFFFE003, lr  }
0x1b: {  	s9 =	sadd.s32 $0xFFFFFEF7, lr;
	s5 =	simm.s32 $0xFFFFFFFF;
	p2 =	slt.u32 s8, $0xFFFFF086  }
0x1c: {  	p1 =	slt.u32 s9, $0xF7A;
	s5 =	simm.s32 @!p2 $0x0  }
0x1d: {  	s5 =	simm.s32 @p1 $0x1;
	p0 =	seq.s32 s7, s2  }
0x1e: {  	s7 =	smul.u32 @!p0 $0xF7A, s2;
	p2 =	seq.s32 @!p0 s5, $0x0  }
0x1f: {  	s9 =	smul.u32 $0xF7A, s1;
	s8 =	simm.s32 @!p0 $0x1BF5;
	p2 =	por !p2, p0  }
0x20: {  	[sflag:s8] =	ssyncset.s32 @!p0 $0xFFFFF086;
	s6 =	sadd.s32 @!p0 s3, s7;
	s7 =	simm.s32 @!p0 $0x108  }
0x21: {  	s3 =	sadd.s32 s3, s9;
	s6 =	sadd.s32 @!p0 $0x88, s6;
	s7 =	simm.s32 @p2 $0x1082  }
0x22: {  	[simem:s7], [sflag:s8] =	dma.local @!p0 [hbm:s6], $0xF7A  }
0x23: {  	s9 =	sor.u32 $0xD0000000, s2;
	s6 =	simm.s32 $0x108;
	_ =	swait.ge @!p0 [sflag:s8], $0x0  }
0x24: {  	s3 =	sadd.s32 $0x88, s3;
	s6 =	simm.s32 @!p1 $0x1082;
	[sflag:s4] =	ssyncset.s32 $0xFFFFF086  }
0x25: {  	[simem:s6], [sflag:s4] =	dma.local [hbm:s3], $0xF7A  }
0x26: {  	[smem:$0x3F9D] =	sst s1;
	(tag) =	ssettag s2;
	_ =	strace s9  }
0x27: {  	s1 =	sld [smem:$0x3FAD]  }
0x28: {  	s2 =	sld [smem:$0x3FAE]  }
0x29: {  	s4 =	sld [smem:$0x3FB0]  }
0x2a: {  	p0 =	seq.s32 s5, $0x0;
	s5 =	sld [smem:$0x3FB1]  }
0x2b: {  	s6 =	sld [smem:$0x3FB2]  }
0x2c: {  	s7 =	sld [smem:$0x3FB3]  }
0x2d: {  	s3 =	simm.s32 $0x108;
	s8 =	sld [smem:$0x3FB4]  }
0x2e: {  	s3 =	simm.s32 @!p0 $0x1082;
	s9 =	sld [smem:$0x3FB5]  }
0x2f: {  	lr =	sadd.s32 s0, s3;
	s0 =	sld [smem:$0x3FAC]  }
0x30: {  	s3 =	sld [smem:$0x3FAF]  }
0x31: {  	[smem:$0x3FB8] =	sst s10  }
0x32: {  	s10 =	sld [smem:$0x3FB6];
	_ =	sdelay $0x3  }
0x33: {  	p0 =	seq.s32 s10, $0x1;
	s10 =	sld [smem:$0x3FB8];
	_ =	sdelay $0x3  }
0x34: {  	[smem:$0x3FB8] =	sst s10  }
0x35: {  	s10 =	sld [smem:$0x3FB7];
	_ =	sdelay $0x3  }
0x36: {  	p1 =	seq.s32 s10, $0x1;
	s10 =	sld [smem:$0x3FB8];
	_ =	sdelay $0x3  }
0x37: {  	[smem:$0x3FB8] =	sst s10  }
0x38: {  	s10 =	sld [smem:$0x3FB9]  }
0x39: {  	_ = 	snop;
	(pc) =	sbr.ind lr, $3  }
0x3a: {  	_ = 	snop  }
0x3b: {  	_ = 	snop  }
0x3c: {  	p2 =	seq.s32 s10, $0x1;
	s10 =	sld [smem:$0x3FB8]  }
0x3d: {  	_ =	shalt  }
0x3e: {  	_ =	shalt  }
0x3f: {  	_ =	shalt  }
0x40: {  	_ =	shalt  }
0x41: {  	_ =	shalt  }
0x42: {  	_ =	shalt  }
0x43: {  	_ =	shalt  }
0x44: {  	_ =	shalt  }
0x45: {  	_ =	shalt  }
0x46: {  	_ =	shalt  }
0x47: {  	_ =	shalt  }
0x48: {  	_ =	shalt  }
0x49: {  	_ =	shalt  }
0x4a: {  	_ =	shalt  }
0x4b: {  	_ =	shalt  }
0x4c: {  	_ =	shalt  }
0x4d: {  	_ =	shalt  }
0x4e: {  	_ =	shalt  }
0x4f: {  	_ =	shalt  }
0x50: {  	_ =	shalt  }
0x51: {  	_ =	shalt  }
0x52: {  	_ =	shalt  }
0x53: {  	_ =	shalt  }
0x54: {  	_ =	shalt  }
0x55: {  	_ =	shalt  }
0x56: {  	_ =	shalt  }
0x57: {  	_ =	shalt  }
0x58: {  	_ =	shalt  }
0x59: {  	_ =	shalt  }
0x5a: {  	_ =	shalt  }
0x5b: {  	_ =	shalt  }
0x5c: {  	_ =	shalt  }
0x5d: {  	_ =	shalt  }
0x5e: {  	_ =	shalt  }
0x5f: {  	_ =	shalt  }
0x60: {  	_ =	shalt  }
0x61: {  	_ =	shalt  }
0x62: {  	_ =	shalt  }
0x63: {  	_ =	shalt  }
0x64: {  	_ =	shalt  }
0x65: {  	_ =	shalt  }
0x66: {  	_ =	shalt  }
0x67: {  	_ =	shalt  }
0x68: {  	_ =	shalt  }
0x69: {  	_ =	shalt  }
0x6a: {  	_ =	shalt  }
0x6b: {  	_ =	shalt  }
0x6c: {  	_ =	shalt  }
0x6d: {  	_ =	shalt  }
0x6e: {  	_ =	shalt  }
0x6f: {  	_ =	shalt  }
0x70: {  	_ =	shalt  }
0x71: {  	_ =	shalt  }
0x72: {  	_ =	shalt  }
0x73: {  	_ =	shalt  }
0x74: {  	_ =	shalt  }
0x75: {  	_ =	shalt  }
0x76: {  	_ =	shalt  }
0x77: {  	_ =	shalt  }
0x78: {  	_ =	shalt  }
0x79: {  	_ =	shalt  }
0x7a: {  	_ =	shalt  }
0x7b: {  	_ =	shalt  }
0x7c: {  	_ =	shalt  }
0x7d: {  	_ =	shalt  }
0x7e: {  	_ =	shalt  }
0x7f: {  	_ =	shalt  }
0x80: {  	_ =	shalt  }
0x81: {  	_ =	shalt  }
0x82: {  	_ =	shalt  }
0x83: {  	_ =	shalt  }
0x84: {  	_ =	shalt  }
0x85: {  	_ =	shalt  }
0x86: {  	_ =	shalt  }
0x87: {  	_ =	shalt  }
.Lfunc_end0:
.L_simem_size_0:
called_computation_lowered:
.L_overlay_start_0:
0x88: {  	s2 =	sld [smem:$0x3FD9]  }
0x89: {  	s3 =	sld [smem:$0x3FFE];
	_ =	sdelay $0x1  }
0x8a: {  	s1 =	srdreg.scid  }
0x8b: {  	s0 =	sand.u32 $0x1, s1  }
0x8c: {  	s17 =	sshll.u32 s0, $0xA;
	s2 =	sadd.s32 s3, s2  }
0x8d: {  	s2 =	sadd.s32 s2, s17  }
0x8e: {  	[smem:$0x3FC4] =	sst s2  }
0x8f: {  	_ = 	snop  }
0x90: {  	s18 =	sld [smem:$0x3FC9];
	(tm) =	ssettm $0x1  }
0x91: {  	s19 =	sld [smem:$0x3FFB];
	_ =	sdelay $0x3  }
0x92: {  	_ =	strace s19  }
0x93: {  	s2 =	sld [smem:$0x3FFC];
	_ =	sdelay $0x3  }
0x94: {  	_ =	strace s2  }
0x95: {  	s2 =	sld [smem:$0x3FFD];
	_ =	sdelay $0x3  }
0x96: {  	_ =	strace s2  }
0x97: {  	_ =	strace $0x8FFFFFFF  }
0x98: {  	s20 =	sld [smem:$0x3FDB];
	_ =	sdelay $0x1  }
0x99: {  	s4 =	simm.s32 $_scs_section_size  }
0x9a: {  	s5 =	simm.s32 $_size__tile_overlayer_lowered;
	s6 =	simm.s32 $_tile_overlayer_lowered  }
0x9b: {  	s7 =	simm.s32 $0x1BFF;
	s21 =	sshll.u32 s6, $0x1;
	s4 =	sadd.s32 s4, s20  }
0x9c: {  	s22 =	simm.s32 $0x0;
	s5 =	sshll.u32 s5, $0x1;
	s6 =	sadd.s32 s21, s4  }
0x9d: {  	[timem:s22], [sflag:s7] =	dma.local [hbm:s6], s5  }
0x9e: {  	_ =	swait.ge [sflag:s7], s5  }
0x9f: {  	s5 =	ssub.s32 $0x0, s5;
	[sflag:s7] =	ssyncset.done $0x0  }
0xa0: {  	[sflag:s7] =	ssyncadd.s32 s5;
	_ =	sdelay $0x1  }
0xa1: {  	s23 =	simm.s32 $0x1B8B  }
0xa2: {  	_ =	swait.ge [sflag:s23], $0x1  }
0xa3: {  	[sflag:s23] =	ssyncset.done $0x0  }
0xa4: {  	[sflag:s23] =	ssyncadd.s32 $0xFFFFFFFF  }
0xa5: {  	s5 =	sld [smem:$0x0]  }
0xa6: {  	s6 =	sand.u32 $0xFFFFFFFE, s1  }
0xa7: {  	p0 =	sne.s32 s1, s6  }
0xa8: {  	s6 =	sshll.u32 @p0 s6, $0xE  }
0xa9: {  	s6 =	sadd.s32 @p0 $0x11B8D, s6;
	s7 =	sshll.u32 @p0 s5, $0x11  }
0xaa: {  	s6 =	sor.u32 @p0 s7, s6  }
0xab: {  	[sflag:s6] =	ssyncadd.remote.s32 @p0 $0x1;
	_ =	sdelay $0x1  }
0xac: {  	s6 =	simm.s32 @p0 $0x1B8D  }
0xad: {  	_ =	swait.eq @p0 [sflag:s6], $0x1  }
0xae: {  	[sflag:s6] =	ssyncadd.s32 @p0 $0xFFFFFFFF  }
0xaf: {  	s7 =	sshll.u32 @!p0 s1, $0xE  }
0xb0: {  	s7 =	sor.u32 @!p0 $0x4000, s7;
	s6 =	simm.s32 @!p0 $0x1B8D  }
0xb1: {  	s5 =	sshll.u32 @!p0 s5, $0x11;
	s7 =	sadd.s32 @!p0 $0x11B8D, s7;
	_ =	swait.eq @!p0 [sflag:s6], $0x1  }
0xb2: {  	s5 =	sor.u32 @!p0 s5, s7;
	[sflag:s6] =	ssyncadd.s32 @!p0 $0xFFFFFFFF  }
0xb3: {  	s25 =	simm.s32 $0x1B8E;
	s24 =	sld [smem:$0x3FFE];
	[sflag:s5] =	ssyncadd.remote.s32 @!p0 $0x1  }
0xb4: {  	s26 =	simm.s32 $execute0_lowered;
	[smem:$0x3FD2] =	sst s25  }
0xb5: {  	s6 =	sshll.u32 s26, $0x1;
	_ =	strace $0x80000049;
	[dreg:$0x1] =	wrdreg $0xFFFFFFFF  }
0xb6: {  	s28 =	simm.s32 $_size_execute0_lowered;
	s4 =	sadd.s32 s4, s6;
	[dreg:$0x0] =	wrdreg $0x0  }
0xb7: {  	s6 =	sshll.u32 s28, $0x1;
	[dreg:$0x2] =	wrdreg s4  }
0xb8: {  	[dreg:$0x3] =	wrdreg s6  }
0xb9: {  	[dreg:$0x4] =	wrdreg $0xC0  }
0xba: {  	_ =	task [dreg:s22], $0x5FFFF  }
0xbb: {  	[dreg:$0x1] =	wrdreg $0xFFFFFFFF  }
0xbc: {  	[dreg:$0x0] =	wrdreg $0x60  }
0xbd: {  	[dreg:$0x2] =	wrdreg s18  }
0xbe: {  	[dreg:$0x3] =	wrdreg s24  }
0xbf: {  	[dreg:$0x4] =	wrdreg $0x9  }
0xc0: {  	_ =	task.clear_ibuf [dreg:s22], $0x5FFFF;
	_ =	strace $0x90000049  }
0xc1: {  	s29 =	simm.s32 $0x9;
	_ =	strace $0x8000004B  }
0xc2: {  	_ =	swait.ge [sflag:s29], $0x1  }
0xc3: {  	[sflag:s29] =	ssyncadd.s32 $0xFFFFFFFF  }
0xc4: {  	_ =	strace $0x9000004B  }
0xc5: {  	_ =	sfence  }
0xc6: {  	s30 =	sld [smem:$0x0];
	_ =	sdelay $0x2  }
0xc7: {  	s31 =	sshll.u32 s1, $0xD;
	s1 =	sshrl.u32 s1, $0x2  }
0xc8: {  	s4 =	sand.u32 $0x4000, s31;
	s1 =	sadd.s32 s1, s30  }
0xc9: {  	s0 =	sor.u32 s4, s0;
	s1 =	sshll.u32 s1, $0x11  }
0xca: {  	s0 =	sor.u32 s1, s0  }
0xcb: {  	s0 =	sadd.s32 $0x8F2B, s0  }
0xcc: {  	[sflag:s0] =	ssyncadd.remote.s32 $0x1  }
0xcd: {  	_ =	sfence.sel $0xFFFF  }
0xce: {  	[dreg:$0x0] =	wrdreg $0xFFFFFFFF;
	(pc) =	sbr.abs _section_cstart, $3  }
0xcf: {  	[dreg:$0x1] =	wrdreg $0xFFFFFFFF  }
0xd0: {  	_ =	task.clear_ibuf [dreg:s22], $0x2FFFF;
	_ =	strace $0x9FFFFFFF  }
0xd1: {  	(tm) =	ssettm $0x7FFFFFFF  }
tec
execute0_lowered:
.L_overlay_start_1:
0x0: {  	(tag) =	ssettag $0x1  }
0x1: {  	s0 =	rddreg [dreg:$0x0]  }
0x2: {  	s3 =	rddreg [dreg:$0x1];
	s1 =	simm.s32 $0x0  }
0x3: {  	s4 =	simm.s32 $0x200;
	[smem:$0x7FF] =	sst s1  }
0x4: {  	s14 =	simm.s32 $0x600;
	_ =	strace $0x8000004A;
	[dreg:$0x3] =	wrdreg s4  }
0x5: {  	s15 =	simm.s32 $0xA00;
	[dreg:$0x4] =	wrdreg s14  }
0x6: {  	s16 =	simm.s32 $0xE00;
	[dreg:$0x5] =	wrdreg s15  }
0x7: {  	s17 =	simm.s32 $0x1200;
	[dreg:$0x6] =	wrdreg s16  }
0x8: {  	s18 =	simm.s32 $0x1600;
	[dreg:$0x7] =	wrdreg s17  }
0x9: {  	s19 =	simm.s32 $0x1A00;
	[dreg:$0x8] =	wrdreg s18  }
0xa: {  	s20 =	simm.s32 $0x1E00;
	[dreg:$0x9] =	wrdreg s19  }
0xb: {  	s5 =	srdreg.scid;
	s21 =	simm.s32 $0x2200;
	[dreg:$0xa] =	wrdreg s20  }
0xc: {  	s6 =	stileid.u32;
	s22 =	simm.s32 $0x2600;
	[dreg:$0xb] =	wrdreg s21  }
0xd: {  	s23 =	simm.s32 $0x2A00;
	s25 =	simm.s32 $0x2E00;
	[dreg:$0xc] =	wrdreg s22  }
0xe: {  	s26 =	simm.s32 $0x3200;
	s28 =	simm.s32 $0x3600;
	[dreg:$0xd] =	wrdreg s23  }
0xf: {  	s29 =	simm.s32 $0x3A00;
	s30 =	simm.s32 $0x3E00;
	[dreg:$0xe] =	wrdreg s25  }
0x10: {  	s2 =	sadd.s32 $0x14800, s3;
	s5 =	sand.u32 $0x1, s5;
	[dreg:$0xf] =	wrdreg s26  }
0x11: {  	s6 =	sshll.u32 s6, $0xA;
	s7 =	sshll.u32 s5, $0x9;
	[dreg:$0x10] =	wrdreg s28  }
0x12: {  	s5 =	ssub.s32 $0x2, s5;
	[dreg:$0x11] =	wrdreg s29;
	s6 =	sor.u32 s7, s6  }
0x13: {  	s24 =	sshrl.u32 s5, $0x1;
	s7 =	sshll.u32 s6, $0x4;
	s6 =	sshrl.u32 s6, $0x3  }
0x14: {  	[dreg:$0x12] =	wrdreg s30;
	s5 =	ssub.s32 s5, s24;
	s0 =	sadd.s32 s0, s6  }
0x15: {  	s3 =	sadd.s32 s7, s3;
	s31 =	smax.u32 s5, $0x1;
	[dreg:$0x13] =	wrdreg s0  }
0x16: {  	s3 =	sadd.s32 $0xF56E00, s3;
	[dreg:$0x15] =	wrdreg s31  }
0x17: {  	s8 =	simm.s32 $0x1;
	[dreg:$0x14] =	wrdreg s3;
	s3 =	simm.s32 $0x0  }
.LBB2_1:
0x18: {  	[dreg:$0x16] =	wrdreg s3  }
0x19: {  	s0 =	rddreg [dreg:$0x13];
	s31 =	simm.s32 $0x2  }
0x1a: {  	[tilespmem:s1], [sflag:$0x2] =	stream.linear.gather [hbm4b:s0+s1], $0x200, $0x38;
	[tilespmem:$0x8200] =	vst v63  }
0x1b: {  	_ =	swait.ge [sflag:s31], $0x200  }
0x1c: {  	[sflag:s31] =	ssyncset.done $0x0  }
0x1d: {  	s4 =	simm.s32 $0x0;
	s0 =	simm.s32 $0x0;
	[sflag:s31] =	ssyncadd.s32 $0xFFFFFE00  }
.LBB2_2:
0x1e: {  	v0 =	vmov s0;
	_ =	sdelay $0x3  }
0x1f: {  	s24 =	simm.s32 $0x0  }
0x20: {  	v1 =	vld.idx.msk [tilespmem:v0+s24+$0x0 ss:$0x1], $0xffff;
	_ =	sdelay $0x4  }
0x21: {  	(v2sf) =	vpush v1, $0x0  }
0x22: {  	(v2sf) =	vpush v1, $0x1  }
0x23: {  	(v2sf) =	vpush v1, $0x2;
	_ =	sdelay $0x1  }
0x24: {  	[dreg:$0x18] =	wrdreg s4  }
0x25: {  	[dreg:$0x17] =	wrdreg s0;
	(v2sf) =	vpush v1, $0x3  }
0x26: {  	s3 =	rddreg [dreg:$0xd];
	(v2sf) =	vpush v1, $0x4  }
0x27: {  	s4 =	rddreg [dreg:$0xc]  }
0x28: {  	s5 =	rddreg [dreg:$0xb];
	(v2sf) =	vpush v1, $0x5  }
0x29: {  	s6 =	rddreg [dreg:$0xa];
	(v2sf) =	vpush v1, $0x6  }
0x2a: {  	s9 =	rddreg [dreg:$0x9]  }
0x2b: {  	s10 =	rddreg [dreg:$0x8]  }
0x2c: {  	s15 =	rddreg [dreg:$0x5]  }
0x2d: {  	s16 =	rddreg [dreg:$0x4];
	(v2sf) =	vpush v1, $0x7  }
0x2e: {  	s17 =	rddreg [dreg:$0x3]  }
0x2f: {  	s28 =	rddreg [dreg:$0x6];
	s13 =	spop (v2sf)  }
0x30: {  	s7 =	rddreg [dreg:$0x7];
	s14 =	sshll.u32 s13, $0x4;
	s20 =	spop (v2sf)  }
0x31: {  	(v2sf) =	vpush v1, $0x8;
	s18 =	sand.u32 $0xFFFFF80, s14;
	s19 =	sshll.u32 s20, $0x4;
	s14 =	spop (v2sf)  }
0x32: {  	s18 =	sadd.s32 s2, s18;
	s19 =	sand.u32 $0xFFFFF80, s19;
	s21 =	sshll.u32 s14, $0x4  }
0x33: {  	(v2sf) =	vpush v1, $0x9;
	[tilespmem:s17], [sflag:$0x1] =	stream.linear.gather [hbm4b:s18+s1], $0x400, $0x38;
	[tilespmem:$0x8200] =	vst v63  }
0x34: {  	(v2sf) =	vpush v1, $0xA;
	s25 =	sadd.s32 s2, s19;
	s26 =	sand.u32 $0xFFFFF80, s21;
	s21 =	spop (v2sf)  }
0x35: {  	s30 =	sadd.s32 s2, s26;
	s31 =	sshll.u32 s21, $0x4;
	s29 =	spop (v2sf)  }
0x36: {  	[tilespmem:s16], [sflag:$0x1] =	stream.linear.gather [hbm4b:s25+s1], $0x400, $0x38;
	[tilespmem:$0x8200] =	vst v63  }
0x37: {  	s11 =	sand.u32 $0xFFFFF80, s31;
	s12 =	sshll.u32 s29, $0x4;
	s22 =	spop (v2sf)  }
0x38: {  	(v2sf) =	vpush v1, $0xB;
	s17 =	sadd.s32 s2, s11;
	s19 =	sand.u32 $0xFFFFF80, s12;
	s23 =	spop (v2sf)  }
0x39: {  	(v2sf) =	vpush v1, $0xC;
	[tilespmem:s15], [sflag:$0x1] =	stream.linear.gather [hbm4b:s30+s1], $0x400, $0x38;
	[tilespmem:$0x8200] =	vst v63  }
0x3a: {  	s24 =	sshll.u32 s22, $0x4;
	s16 =	sadd.s32 s2, s19;
	s25 =	sshll.u32 s23, $0x4  }
0x3b: {  	(v2sf) =	vpush v1, $0xD;
	[tilespmem:s28], [sflag:$0x1] =	stream.linear.gather [hbm4b:s17+s1], $0x400, $0x38;
	[tilespmem:$0x8200] =	vst v63  }
0x3c: {  	s30 =	sand.u32 $0xFFFFF80, s25;
	s17 =	sand.u32 $0xFFFFF80, s24;
	s28 =	spop (v2sf)  }
0x3d: {  	[tilespmem:s7], [sflag:$0x1] =	stream.linear.gather [hbm4b:s16+s1], $0x400, $0x38;
	[tilespmem:$0x8200] =	vst v63  }
0x3e: {  	s26 =	sadd.s32 s2, s17;
	s31 =	sshll.u32 s28, $0x4;
	s7 =	sadd.s32 s2, s30  }
0x3f: {  	[tilespmem:s10], [sflag:$0x1] =	stream.linear.gather [hbm4b:s26+s1], $0x400, $0x38;
	[tilespmem:$0x8200] =	vst v63  }
0x40: {  	s30 =	rddreg [dreg:$0xe];
	s10 =	sand.u32 $0xFFFFF80, s31;
	s17 =	spop (v2sf)  }
0x41: {  	(v2sf) =	vpush v1, $0xE;
	[tilespmem:s9], [sflag:$0x1] =	stream.linear.gather [hbm4b:s7+s1], $0x400, $0x38;
	[tilespmem:$0x8200] =	vst v63  }
0x42: {  	s11 =	sshll.u32 s17, $0x4;
	s18 =	spop (v2sf);
	s9 =	sadd.s32 s2, s10  }
0x43: {  	s10 =	sand.u32 $0xFFFFF80, s11;
	s12 =	sshll.u32 s18, $0x4;
	s19 =	spop (v2sf)  }
0x44: {  	(v2sf) =	vpush v1, $0xF;
	[tilespmem:s6], [sflag:$0x1] =	stream.linear.gather [hbm4b:s9+s1], $0x400, $0x38;
	[tilespmem:$0x8200] =	vst v63  }
0x45: {  	s16 =	sadd.s32 s2, s10;
	s24 =	sand.u32 $0xFFFFF80, s12;
	s25 =	sshll.u32 s19, $0x4  }
0x46: {  	[tilespmem:s5], [sflag:$0x1] =	stream.linear.gather [hbm4b:s16+s1], $0x400, $0x38;
	[tilespmem:$0x8200] =	vst v63  }
0x47: {  	s15 =	spop (v2sf);
	s26 =	sadd.s32 s2, s24;
	s5 =	sand.u32 $0xFFFFF80, s25  }
0x48: {  	s31 =	sshll.u32 s15, $0x4;
	s24 =	spop (v2sf);
	s5 =	sadd.s32 s2, s5  }
0x49: {  	[tilespmem:s4], [sflag:$0x1] =	stream.linear.gather [hbm4b:s26+s1], $0x400, $0x38;
	[tilespmem:$0x8200] =	vst v63  }
0x4a: {  	s6 =	sand.u32 $0xFFFFF80, s31;
	s7 =	sshll.u32 s24, $0x4;
	s16 =	spop (v2sf)  }
0x4b: {  	[tilespmem:s3], [sflag:$0x1] =	stream.linear.gather [hbm4b:s5+s1], $0x400, $0x38;
	[tilespmem:$0x8200] =	vst v63  }
0x4c: {  	s6 =	sadd.s32 s2, s6;
	s9 =	sand.u32 $0xFFFFF80, s7;
	s10 =	sshll.u32 s16, $0x4  }
0x4d: {  	[tilespmem:s30], [sflag:$0x1] =	stream.linear.gather [hbm4b:s6+s1], $0x400, $0x38;
	[tilespmem:$0x8200] =	vst v63  }
0x4e: {  	s0 =	rddreg [dreg:$0xf];
	s4 =	sand.u32 $0xFFFFF80, s10;
	s3 =	sadd.s32 s2, s9  }
0x4f: {  	[tilespmem:s0], [sflag:$0x1] =	stream.linear.gather [hbm4b:s3+s1], $0x400, $0x38;
	[tilespmem:$0x8200] =	vst v63  }
0x50: {  	s11 =	rddreg [dreg:$0x10];
	s12 =	sadd.s32 s2, s4;
	s25 =	spop (v2sf)  }
0x51: {  	[tilespmem:s11], [sflag:$0x1] =	stream.linear.gather [hbm4b:s12+s1], $0x400, $0x38;
	[tilespmem:$0x8200] =	vst v63  }
0x52: {  	s26 =	sshll.u32 s25, $0x4  }
0x53: {  	s0 =	sand.u32 $0xFFFFF80, s26;
	s26 =	spop (v2sf)  }
0x54: {  	s30 =	rddreg [dreg:$0x11];
	s0 =	sadd.s32 s2, s0;
	s4 =	sshll.u32 s26, $0x4  }
0x55: {  	[tilespmem:s30], [sflag:$0x1] =	stream.linear.gather [hbm4b:s0+s1], $0x400, $0x38;
	[tilespmem:$0x8200] =	vst v63  }
0x56: {  	s3 =	sand.u32 $0xFFFFF80, s4  }
0x57: {  	s31 =	rddreg [dreg:$0x12];
	s3 =	sadd.s32 s2, s3  }
0x58: {  	[tilespmem:s31], [sflag:$0x1] =	stream.linear.gather [hbm4b:s3+s1], $0x400, $0x38;
	[tilespmem:$0x8200] =	vst v63  }
0x59: {  	_ =	swait.ge [sflag:s8], $0x400  }
0x5a: {  	[sflag:s8] =	ssyncset.done $0x0  }
0x5b: {  	[sflag:s8] =	ssyncadd.s32 $0xFFFFFC00  }
0x5c: {  	_ =	swait.ge [sflag:s8], $0x400  }
0x5d: {  	[sflag:s8] =	ssyncset.done $0x0  }
0x5e: {  	[sflag:s8] =	ssyncadd.s32 $0xFFFFFC00  }
0x5f: {  	_ =	swait.ge [sflag:s8], $0x400  }
0x60: {  	[sflag:s8] =	ssyncset.done $0x0  }
0x61: {  	[sflag:s8] =	ssyncadd.s32 $0xFFFFFC00  }
0x62: {  	_ =	swait.ge [sflag:s8], $0x400  }
0x63: {  	[sflag:s8] =	ssyncset.done $0x0  }
0x64: {  	[sflag:s8] =	ssyncadd.s32 $0xFFFFFC00  }
0x65: {  	_ =	swait.ge [sflag:s8], $0x400  }
0x66: {  	[sflag:s8] =	ssyncset.done $0x0  }
0x67: {  	[sflag:s8] =	ssyncadd.s32 $0xFFFFFC00  }
0x68: {  	_ =	swait.ge [sflag:s8], $0x400  }
0x69: {  	[sflag:s8] =	ssyncset.done $0x0  }
0x6a: {  	[sflag:s8] =	ssyncadd.s32 $0xFFFFFC00  }
0x6b: {  	_ =	swait.ge [sflag:s8], $0x400  }
0x6c: {  	[sflag:s8] =	ssyncset.done $0x0  }
0x6d: {  	[sflag:s8] =	ssyncadd.s32 $0xFFFFFC00  }
0x6e: {  	_ =	swait.ge [sflag:s8], $0x400  }
0x6f: {  	[sflag:s8] =	ssyncset.done $0x0  }
0x70: {  	[sflag:s8] =	ssyncadd.s32 $0xFFFFFC00  }
0x71: {  	_ =	swait.ge [sflag:s8], $0x400  }
0x72: {  	[sflag:s8] =	ssyncset.done $0x0  }
0x73: {  	[sflag:s8] =	ssyncadd.s32 $0xFFFFFC00  }
0x74: {  	_ =	swait.ge [sflag:s8], $0x400  }
0x75: {  	[sflag:s8] =	ssyncset.done $0x0  }
0x76: {  	[sflag:s8] =	ssyncadd.s32 $0xFFFFFC00  }
0x77: {  	_ =	swait.ge [sflag:s8], $0x400  }
0x78: {  	[sflag:s8] =	ssyncset.done $0x0  }
0x79: {  	[sflag:s8] =	ssyncadd.s32 $0xFFFFFC00  }
0x7a: {  	_ =	swait.ge [sflag:s8], $0x400  }
0x7b: {  	[sflag:s8] =	ssyncset.done $0x0  }
0x7c: {  	[sflag:s8] =	ssyncadd.s32 $0xFFFFFC00  }
0x7d: {  	_ =	swait.ge [sflag:s8], $0x400  }
0x7e: {  	[sflag:s8] =	ssyncset.done $0x0  }
0x7f: {  	[sflag:s8] =	ssyncadd.s32 $0xFFFFFC00  }
0x80: {  	_ =	swait.ge [sflag:s8], $0x400  }
0x81: {  	[sflag:s8] =	ssyncset.done $0x0  }
0x82: {  	[sflag:s8] =	ssyncadd.s32 $0xFFFFFC00  }
0x83: {  	_ =	swait.ge [sflag:s8], $0x400  }
0x84: {  	[sflag:s8] =	ssyncset.done $0x0  }
0x85: {  	[sflag:s8] =	ssyncadd.s32 $0xFFFFFC00  }
0x86: {  	_ =	swait.ge [sflag:s8], $0x400  }
0x87: {  	s5 =	sshll.u32 s13, $0x7;
	[sflag:s8] =	ssyncset.done $0x0  }
0x88: {  	s0 =	sand.u32 $0x380, s5;
	[sflag:s8] =	ssyncadd.s32 $0xFFFFFC00  }
0x89: {  	v1 =	vld [tilespmem:s0+$0x200];
	_ =	sdelay $0x3  }
0x8a: {  	s13 =	simm.s32 $0x4600  }
0x8b: {  	[tilespmem:s13+$0xFFFFFC00] =	vst v1  }
0x8c: {  	v1 =	vld [tilespmem:s0+$0x210];
	_ =	sdelay $0x3  }
0x8d: {  	s6 =	sshll.u32 s20, $0x7  }
0x8e: {  	s0 =	sand.u32 $0x380, s6;
	[tilespmem:s13+$0xFFFFFC10] =	vst v1  }
0x8f: {  	v1 =	vld [tilespmem:s0+$0x600];
	_ =	sdelay $0x4  }
0x90: {  	[tilespmem:s13+$0xFFFFFC80] =	vst v1  }
0x91: {  	v1 =	vld [tilespmem:s0+$0x610];
	_ =	sdelay $0x3  }
0x92: {  	s7 =	sshll.u32 s14, $0x7  }
0x93: {  	s0 =	sand.u32 $0x380, s7;
	[tilespmem:s13+$0xFFFFFC90] =	vst v1  }
0x94: {  	v1 =	vld [tilespmem:s0+$0xA00];
	_ =	sdelay $0x4  }
0x95: {  	[tilespmem:s13+$0xFFFFFD00] =	vst v1  }
0x96: {  	v1 =	vld [tilespmem:s0+$0xA10];
	_ =	sdelay $0x3  }
0x97: {  	s9 =	sshll.u32 s21, $0x7  }
0x98: {  	s0 =	sand.u32 $0x380, s9;
	[tilespmem:s13+$0xFFFFFD10] =	vst v1  }
0x99: {  	v1 =	vld [tilespmem:s0+$0xE00];
	_ =	sdelay $0x4  }
0x9a: {  	[tilespmem:s13+$0xFFFFFD80] =	vst v1  }
0x9b: {  	v1 =	vld [tilespmem:s0+$0xE10];
	_ =	sdelay $0x3  }
0x9c: {  	s10 =	sshll.u32 s29, $0x7  }
0x9d: {  	s0 =	sand.u32 $0x380, s10;
	[tilespmem:s13+$0xFFFFFD90] =	vst v1  }
0x9e: {  	v1 =	vld [tilespmem:s0+$0x1200];
	_ =	sdelay $0x4  }
0x9f: {  	[tilespmem:s13+$0xFFFFFE00] =	vst v1  }
0xa0: {  	v1 =	vld [tilespmem:s0+$0x1210];
	_ =	sdelay $0x3  }
0xa1: {  	s11 =	sshll.u32 s22, $0x7  }
0xa2: {  	s0 =	sand.u32 $0x380, s11;
	[tilespmem:s13+$0xFFFFFE10] =	vst v1  }
0xa3: {  	v1 =	vld [tilespmem:s0+$0x1600];
	_ =	sdelay $0x4  }
0xa4: {  	[tilespmem:s13+$0xFFFFFE80] =	vst v1  }
0xa5: {  	v1 =	vld [tilespmem:s0+$0x1610];
	_ =	sdelay $0x3  }
0xa6: {  	s12 =	sshll.u32 s23, $0x7  }
0xa7: {  	s0 =	sand.u32 $0x380, s12;
	[tilespmem:s13+$0xFFFFFE90] =	vst v1  }
0xa8: {  	v1 =	vld [tilespmem:s0+$0x1A00];
	_ =	sdelay $0x4  }
0xa9: {  	[tilespmem:s13+$0xFFFFFF00] =	vst v1  }
0xaa: {  	v1 =	vld [tilespmem:s0+$0x1A10];
	_ =	sdelay $0x3  }
0xab: {  	s14 =	sshll.u32 s28, $0x7  }
0xac: {  	s0 =	sand.u32 $0x380, s14;
	[tilespmem:s13+$0xFFFFFF10] =	vst v1  }
0xad: {  	v1 =	vld [tilespmem:s0+$0x1E00];
	_ =	sdelay $0x4  }
0xae: {  	[tilespmem:s13+$0xFFFFFF80] =	vst v1  }
0xaf: {  	v1 =	vld [tilespmem:s0+$0x1E10];
	_ =	sdelay $0x3  }
0xb0: {  	s20 =	sshll.u32 s17, $0x7  }
0xb1: {  	s0 =	sand.u32 $0x380, s20;
	[tilespmem:s13+$0xFFFFFF90] =	vst v1  }
0xb2: {  	v1 =	vld [tilespmem:s0+$0x2200];
	_ =	sdelay $0x4  }
0xb3: {  	[tilespmem:s13+$0x0] =	vst v1  }
0xb4: {  	v1 =	vld [tilespmem:s0+$0x2210];
	_ =	sdelay $0x3  }
0xb5: {  	s21 =	sshll.u32 s18, $0x7  }
0xb6: {  	s0 =	sand.u32 $0x380, s21;
	[tilespmem:s13+$0x10] =	vst v1  }
0xb7: {  	v1 =	vld [tilespmem:s0+$0x2600];
	_ =	sdelay $0x4  }
0xb8: {  	[tilespmem:s13+$0x80] =	vst v1  }
0xb9: {  	v1 =	vld [tilespmem:s0+$0x2610];
	_ =	sdelay $0x3  }
0xba: {  	s22 =	sshll.u32 s19, $0x7  }
0xbb: {  	s0 =	sand.u32 $0x380, s22;
	[tilespmem:s13+$0x90] =	vst v1  }
0xbc: {  	v1 =	vld [tilespmem:s0+$0x2A00];
	_ =	sdelay $0x4  }
0xbd: {  	[tilespmem:s13+$0x100] =	vst v1  }
0xbe: {  	v1 =	vld [tilespmem:s0+$0x2A10];
	_ =	sdelay $0x3  }
0xbf: {  	s23 =	sshll.u32 s15, $0x7  }
0xc0: {  	s0 =	sand.u32 $0x380, s23;
	[tilespmem:s13+$0x110] =	vst v1  }
0xc1: {  	v1 =	vld [tilespmem:s0+$0x2E00];
	_ =	sdelay $0x4  }
0xc2: {  	[tilespmem:s13+$0x180] =	vst v1  }
0xc3: {  	v1 =	vld [tilespmem:s0+$0x2E10];
	_ =	sdelay $0x3  }
0xc4: {  	s28 =	sshll.u32 s24, $0x7  }
0xc5: {  	s0 =	sand.u32 $0x380, s28;
	[tilespmem:s13+$0x190] =	vst v1  }
0xc6: {  	v1 =	vld [tilespmem:s0+$0x3200];
	_ =	sdelay $0x4  }
0xc7: {  	[tilespmem:s13+$0x200] =	vst v1  }
0xc8: {  	v1 =	vld [tilespmem:s0+$0x3210];
	_ =	sdelay $0x3  }
0xc9: {  	s29 =	sshll.u32 s16, $0x7  }
0xca: {  	s0 =	sand.u32 $0x380, s29;
	[tilespmem:s13+$0x210] =	vst v1  }
0xcb: {  	v1 =	vld [tilespmem:s0+$0x3600];
	_ =	sdelay $0x4  }
0xcc: {  	[tilespmem:s13+$0x280] =	vst v1  }
0xcd: {  	v1 =	vld [tilespmem:s0+$0x3610];
	_ =	sdelay $0x3  }
0xce: {  	s30 =	sshll.u32 s25, $0x7  }
0xcf: {  	s0 =	sand.u32 $0x380, s30;
	[tilespmem:s13+$0x290] =	vst v1  }
0xd0: {  	v1 =	vld [tilespmem:s0+$0x3A00];
	_ =	sdelay $0x4  }
0xd1: {  	[tilespmem:s13+$0x300] =	vst v1  }
0xd2: {  	v1 =	vld [tilespmem:s0+$0x3A10];
	_ =	sdelay $0x3  }
0xd3: {  	s31 =	sshll.u32 s26, $0x7  }
0xd4: {  	s0 =	sand.u32 $0x380, s31;
	[tilespmem:s13+$0x310] =	vst v1  }
0xd5: {  	v1 =	vld [tilespmem:s0+$0x3E00];
	_ =	sdelay $0x4  }
0xd6: {  	s15 =	simm.s32 $0x40;
	s14 =	simm.s32 $0x4600;
	[tilespmem:s13+$0x380] =	vst v1  }
.LBB2_3:
0xd7: {  	v1 =	vld [tilespmem:s0+$0x3E10];
	_ =	sdelay $0x3  }
0xd8: {  	s30 =	smov.u32 s15  }
0xd9: {  	s0 =	sshra.s32 s30, $0x2;
	[tilespmem:s14+$0x390] =	vst v1  }
0xda: {  	v1 =	vld.idx.msk [tilespmem:v0+s0+$0x0 ss:$0x1], $0xffff;
	_ =	sdelay $0x4  }
0xdb: {  	(v2sf) =	vpush v1, $0x0  }
0xdc: {  	(v2sf) =	vpush v1, $0x1  }
0xdd: {  	(v2sf) =	vpush v1, $0x2;
	_ =	sdelay $0x1  }
0xde: {  	s17 =	rddreg [dreg:$0x10]  }
0xdf: {  	s18 =	rddreg [dreg:$0xf];
	(v2sf) =	vpush v1, $0x3  }
0xe0: {  	s21 =	rddreg [dreg:$0xd];
	(v2sf) =	vpush v1, $0x4  }
0xe1: {  	s28 =	rddreg [dreg:$0xb]  }
0xe2: {  	s29 =	rddreg [dreg:$0xa];
	(v2sf) =	vpush v1, $0x5  }
0xe3: {  	s9 =	rddreg [dreg:$0x8]  }
0xe4: {  	s5 =	rddreg [dreg:$0x7]  }
0xe5: {  	s3 =	rddreg [dreg:$0x6]  }
0xe6: {  	s4 =	rddreg [dreg:$0x5];
	(v2sf) =	vpush v1, $0x6  }
0xe7: {  	s6 =	rddreg [dreg:$0x4]  }
0xe8: {  	s24 =	rddreg [dreg:$0x3];
	(v2sf) =	vpush v1, $0x7  }
0xe9: {  	s30 =	rddreg [dreg:$0x9];
	s20 =	spop (v2sf)  }
0xea: {  	s0 =	rddreg [dreg:$0xc];
	(v2sf) =	vpush v1, $0x8;
	s10 =	sshll.u32 s20, $0x4;
	s23 =	spop (v2sf)  }
0xeb: {  	s10 =	sand.u32 $0xFFFFF80, s10;
	s25 =	sshll.u32 s23, $0x4;
	s22 =	spop (v2sf)  }
0xec: {  	s10 =	sadd.s32 s2, s10;
	s25 =	sand.u32 $0xFFFFF80, s25;
	s26 =	sshll.u32 s22, $0x4  }
0xed: {  	(v2sf) =	vpush v1, $0x9;
	[tilespmem:s24], [sflag:$0x1] =	stream.linear.gather [hbm4b:s10+s1], $0x400, $0x38;
	[tilespmem:$0x8200] =	vst v63  }
0xee: {  	s31 =	sadd.s32 s2, s25;
	s7 =	sand.u32 $0xFFFFF80, s26;
	s24 =	spop (v2sf)  }
0xef: {  	(v2sf) =	vpush v1, $0xA;
	s10 =	sadd.s32 s2, s7;
	s11 =	sshll.u32 s24, $0x4;
	s25 =	spop (v2sf)  }
0xf0: {  	(v2sf) =	vpush v1, $0xB;
	[tilespmem:s6], [sflag:$0x1] =	stream.linear.gather [hbm4b:s31+s1], $0x400, $0x38;
	[tilespmem:$0x8200] =	vst v63  }
0xf1: {  	s12 =	sand.u32 $0xFFFFF80, s11;
	s31 =	sshll.u32 s25, $0x4;
	s26 =	spop (v2sf)  }
0xf2: {  	[tilespmem:s4], [sflag:$0x1] =	stream.linear.gather [hbm4b:s10+s1], $0x400, $0x38;
	[tilespmem:$0x8200] =	vst v63  }
0xf3: {  	s6 =	sand.u32 $0xFFFFF80, s31;
	s7 =	sshll.u32 s26, $0x4;
	s4 =	sadd.s32 s2, s12  }
0xf4: {  	(v2sf) =	vpush v1, $0xC;
	[tilespmem:s3], [sflag:$0x1] =	stream.linear.gather [hbm4b:s4+s1], $0x400, $0x38;
	[tilespmem:$0x8200] =	vst v63  }
0xf5: {  	s6 =	sadd.s32 s2, s6;
	s11 =	sand.u32 $0xFFFFF80, s7;
	s3 =	spop (v2sf)  }
0xf6: {  	(v2sf) =	vpush v1, $0xD;
	[tilespmem:s5], [sflag:$0x1] =	stream.linear.gather [hbm4b:s6+s1], $0x400, $0x38;
	[tilespmem:$0x8200] =	vst v63  }
0xf7: {  	s10 =	sadd.s32 s2, s11;
	s31 =	sshll.u32 s3, $0x4;
	s4 =	spop (v2sf)  }
0xf8: {  	[tilespmem:s9], [sflag:$0x1] =	stream.linear.gather [hbm4b:s10+s1], $0x400, $0x38;
	[tilespmem:$0x8200] =	vst v63  }
0xf9: {  	(v2sf) =	vpush v1, $0xE;
	s12 =	sand.u32 $0xFFFFF80, s31;
	s7 =	sshll.u32 s4, $0x4;
	s6 =	spop (v2sf)  }
0xfa: {  	s5 =	sadd.s32 s2, s12;
	s10 =	sand.u32 $0xFFFFF80, s7;
	s11 =	sshll.u32 s6, $0x4  }
0xfb: {  	(v2sf) =	vpush v1, $0xF;
	[tilespmem:s30], [sflag:$0x1] =	stream.linear.gather [hbm4b:s5+s1], $0x400, $0x38;
	[tilespmem:$0x8200] =	vst v63  }
0xfc: {  	s12 =	sadd.s32 s2, s10;
	s31 =	sand.u32 $0xFFFFF80, s11;
	s10 =	spop (v2sf)  }
0xfd: {  	[tilespmem:s29], [sflag:$0x1] =	stream.linear.gather [hbm4b:s12+s1], $0x400, $0x38;
	[tilespmem:$0x8200] =	vst v63  }
0xfe: {  	s30 =	sadd.s32 s2, s31;
	s7 =	sshll.u32 s10, $0x4;
	s9 =	spop (v2sf)  }
0xff: {  	s11 =	sand.u32 $0xFFFFF80, s7;
	s12 =	sshll.u32 s9, $0x4;
	s5 =	spop (v2sf)  }
0x100: {  	[tilespmem:s28], [sflag:$0x1] =	stream.linear.gather [hbm4b:s30+s1], $0x400, $0x38;
	[tilespmem:$0x8200] =	vst v63  }
0x101: {  	s7 =	sadd.s32 s2, s11;
	s11 =	sand.u32 $0xFFFFF80, s12;
	s12 =	sshll.u32 s5, $0x4  }
0x102: {  	[tilespmem:s0], [sflag:$0x1] =	stream.linear.gather [hbm4b:s7+s1], $0x400, $0x38;
	[tilespmem:$0x8200] =	vst v63  }
0x103: {  	s31 =	sadd.s32 s2, s11;
	s11 =	sand.u32 $0xFFFFF80, s12;
	s7 =	spop (v2sf)  }
0x104: {  	[tilespmem:s21], [sflag:$0x1] =	stream.linear.gather [hbm4b:s31+s1], $0x400, $0x38;
	[tilespmem:$0x8200] =	vst v63  }
0x105: {  	s28 =	sadd.s32 s2, s11;
	s12 =	sshll.u32 s7, $0x4;
	s11 =	spop (v2sf)  }
0x106: {  	s19 =	rddreg [dreg:$0xe];
	s30 =	sand.u32 $0xFFFFF80, s12;
	s31 =	sshll.u32 s11, $0x4  }
0x107: {  	[tilespmem:s19], [sflag:$0x1] =	stream.linear.gather [hbm4b:s28+s1], $0x400, $0x38;
	[tilespmem:$0x8200] =	vst v63  }
0x108: {  	s0 =	sadd.s32 s2, s30;
	s12 =	spop (v2sf);
	s29 =	sand.u32 $0xFFFFF80, s31  }
0x109: {  	[tilespmem:s18], [sflag:$0x1] =	stream.linear.gather [hbm4b:s0+s1], $0x400, $0x38;
	[tilespmem:$0x8200] =	vst v63  }
0x10a: {  	s30 =	sshll.u32 s12, $0x4;
	s31 =	sadd.s32 s2, s29;
	s19 =	spop (v2sf)  }
0x10b: {  	[tilespmem:s17], [sflag:$0x1] =	stream.linear.gather [hbm4b:s31+s1], $0x400, $0x38;
	[tilespmem:$0x8200] =	vst v63  }
0x10c: {  	s28 =	sand.u32 $0xFFFFF80, s30;
	s29 =	sshll.u32 s19, $0x4  }
0x10d: {  	s21 =	rddreg [dreg:$0x11];
	s18 =	sadd.s32 s2, s28;
	s30 =	sand.u32 $0xFFFFF80, s29  }
0x10e: {  	[tilespmem:s21], [sflag:$0x1] =	stream.linear.gather [hbm4b:s18+s1], $0x400, $0x38;
	[tilespmem:$0x8200] =	vst v63  }
0x10f: {  	s16 =	rddreg [dreg:$0x12];
	s17 =	sadd.s32 s2, s30  }
0x110: {  	[tilespmem:s16], [sflag:$0x1] =	stream.linear.gather [hbm4b:s17+s1], $0x400, $0x38;
	[tilespmem:$0x8200] =	vst v63  }
0x111: {  	_ =	swait.ge [sflag:s8], $0x400  }
0x112: {  	[sflag:s8] =	ssyncset.done $0x0  }
0x113: {  	[sflag:s8] =	ssyncadd.s32 $0xFFFFFC00  }
0x114: {  	_ =	swait.ge [sflag:s8], $0x400  }
0x115: {  	[sflag:s8] =	ssyncset.done $0x0  }
0x116: {  	[sflag:s8] =	ssyncadd.s32 $0xFFFFFC00  }
0x117: {  	_ =	swait.ge [sflag:s8], $0x400  }
0x118: {  	[sflag:s8] =	ssyncset.done $0x0  }
0x119: {  	[sflag:s8] =	ssyncadd.s32 $0xFFFFFC00  }
0x11a: {  	_ =	swait.ge [sflag:s8], $0x400  }
0x11b: {  	[sflag:s8] =	ssyncset.done $0x0  }
0x11c: {  	[sflag:s8] =	ssyncadd.s32 $0xFFFFFC00  }
0x11d: {  	_ =	swait.ge [sflag:s8], $0x400  }
0x11e: {  	[sflag:s8] =	ssyncset.done $0x0  }
0x11f: {  	[sflag:s8] =	ssyncadd.s32 $0xFFFFFC00  }
0x120: {  	_ =	swait.ge [sflag:s8], $0x400  }
0x121: {  	[sflag:s8] =	ssyncset.done $0x0  }
0x122: {  	[sflag:s8] =	ssyncadd.s32 $0xFFFFFC00  }
0x123: {  	_ =	swait.ge [sflag:s8], $0x400  }
0x124: {  	[sflag:s8] =	ssyncset.done $0x0  }
0x125: {  	[sflag:s8] =	ssyncadd.s32 $0xFFFFFC00  }
0x126: {  	_ =	swait.ge [sflag:s8], $0x400  }
0x127: {  	[sflag:s8] =	ssyncset.done $0x0  }
0x128: {  	[sflag:s8] =	ssyncadd.s32 $0xFFFFFC00  }
0x129: {  	_ =	swait.ge [sflag:s8], $0x400  }
0x12a: {  	[sflag:s8] =	ssyncset.done $0x0  }
0x12b: {  	[sflag:s8] =	ssyncadd.s32 $0xFFFFFC00  }
0x12c: {  	_ =	swait.ge [sflag:s8], $0x400  }
0x12d: {  	[sflag:s8] =	ssyncset.done $0x0  }
0x12e: {  	[sflag:s8] =	ssyncadd.s32 $0xFFFFFC00  }
0x12f: {  	_ =	swait.ge [sflag:s8], $0x400  }
0x130: {  	[sflag:s8] =	ssyncset.done $0x0  }
0x131: {  	[sflag:s8] =	ssyncadd.s32 $0xFFFFFC00  }
0x132: {  	_ =	swait.ge [sflag:s8], $0x400  }
0x133: {  	[sflag:s8] =	ssyncset.done $0x0  }
0x134: {  	[sflag:s8] =	ssyncadd.s32 $0xFFFFFC00  }
0x135: {  	_ =	swait.ge [sflag:s8], $0x400  }
0x136: {  	[sflag:s8] =	ssyncset.done $0x0  }
0x137: {  	[sflag:s8] =	ssyncadd.s32 $0xFFFFFC00  }
0x138: {  	_ =	swait.ge [sflag:s8], $0x400  }
0x139: {  	[sflag:s8] =	ssyncset.done $0x0  }
0x13a: {  	[sflag:s8] =	ssyncadd.s32 $0xFFFFFC00  }
0x13b: {  	_ =	swait.ge [sflag:s8], $0x400  }
0x13c: {  	[sflag:s8] =	ssyncset.done $0x0  }
0x13d: {  	[sflag:s8] =	ssyncadd.s32 $0xFFFFFC00  }
0x13e: {  	_ =	swait.ge [sflag:s8], $0x400  }
0x13f: {  	s0 =	sshll.u32 s20, $0x7;
	[sflag:s8] =	ssyncset.done $0x0  }
0x140: {  	s0 =	sand.u32 $0x380, s0;
	[sflag:s8] =	ssyncadd.s32 $0xFFFFFC00  }
0x141: {  	v1 =	vld [tilespmem:s0+$0x200];
	_ =	sdelay $0x3  }
0x142: {  	s13 =	sadd.s32 $0x800, s13  }
0x143: {  	[tilespmem:s13+$0xFFFFFC00] =	vst v1  }
0x144: {  	v1 =	vld [tilespmem:s0+$0x210];
	_ =	sdelay $0x3  }
0x145: {  	s31 =	sshll.u32 s23, $0x7  }
0x146: {  	s30 =	sshll.u32 s22, $0x7;
	s22 =	sshll.u32 s6, $0x7;
	s6 =	sand.u32 $0x380, s31;
	[tilespmem:s13+$0xFFFFFC10] =	vst v1  }
0x147: {  	v1 =	vld [tilespmem:s6+$0x600];
	_ =	sdelay $0x4  }
0x148: {  	[tilespmem:s13+$0xFFFFFC80] =	vst v1  }
0x149: {  	v1 =	vld [tilespmem:s6+$0x610];
	_ =	sdelay $0x4  }
0x14a: {  	s16 =	sshll.u32 s7, $0x7;
	s7 =	sand.u32 $0x380, s30;
	[tilespmem:s13+$0xFFFFFC90] =	vst v1  }
0x14b: {  	v1 =	vld [tilespmem:s7+$0xA00];
	_ =	sdelay $0x4  }
0x14c: {  	[tilespmem:s13+$0xFFFFFD00] =	vst v1  }
0x14d: {  	v1 =	vld [tilespmem:s7+$0xA10];
	_ =	sdelay $0x3  }
0x14e: {  	s29 =	sshll.u32 s24, $0x7  }
0x14f: {  	s20 =	sshll.u32 s9, $0x7;
	s9 =	sand.u32 $0x380, s29;
	[tilespmem:s13+$0xFFFFFD10] =	vst v1  }
0x150: {  	v1 =	vld [tilespmem:s9+$0xE00];
	_ =	sdelay $0x4  }
0x151: {  	[tilespmem:s13+$0xFFFFFD80] =	vst v1  }
0x152: {  	v1 =	vld [tilespmem:s9+$0xE10];
	_ =	sdelay $0x3  }
0x153: {  	s23 =	sshll.u32 s25, $0x7  }
0x154: {  	s18 =	sshll.u32 s10, $0x7;
	s10 =	sand.u32 $0x380, s23;
	[tilespmem:s13+$0xFFFFFD90] =	vst v1  }
0x155: {  	v1 =	vld [tilespmem:s10+$0x1200];
	_ =	sdelay $0x4  }
0x156: {  	[tilespmem:s13+$0xFFFFFE00] =	vst v1  }
0x157: {  	v1 =	vld [tilespmem:s10+$0x1210];
	_ =	sdelay $0x3  }
0x158: {  	s26 =	sshll.u32 s26, $0x7  }
0x159: {  	s17 =	sshll.u32 s11, $0x7;
	s11 =	sand.u32 $0x380, s26;
	[tilespmem:s13+$0xFFFFFE10] =	vst v1  }
0x15a: {  	v1 =	vld [tilespmem:s11+$0x1600];
	_ =	sdelay $0x4  }
0x15b: {  	[tilespmem:s13+$0xFFFFFE80] =	vst v1  }
0x15c: {  	v1 =	vld [tilespmem:s11+$0x1610];
	_ =	sdelay $0x3  }
0x15d: {  	s24 =	sshll.u32 s3, $0x7  }
0x15e: {  	s21 =	sshll.u32 s4, $0x7;
	s4 =	sshll.u32 s12, $0x7;
	s12 =	sand.u32 $0x380, s24;
	[tilespmem:s13+$0xFFFFFE90] =	vst v1  }
0x15f: {  	v1 =	vld [tilespmem:s12+$0x1A00];
	_ =	sdelay $0x4  }
0x160: {  	[tilespmem:s13+$0xFFFFFF00] =	vst v1  }
0x161: {  	v1 =	vld [tilespmem:s12+$0x1A10];
	_ =	sdelay $0x4  }
0x162: {  	s3 =	sshll.u32 s5, $0x7;
	s5 =	sshll.u32 s19, $0x7;
	s19 =	sand.u32 $0x380, s21;
	[tilespmem:s13+$0xFFFFFF10] =	vst v1  }
0x163: {  	v1 =	vld [tilespmem:s19+$0x1E00];
	_ =	sdelay $0x4  }
0x164: {  	[tilespmem:s13+$0xFFFFFF80] =	vst v1  }
0x165: {  	v1 =	vld [tilespmem:s19+$0x1E10];
	_ =	sdelay $0x4  }
0x166: {  	s24 =	sand.u32 $0x380, s22;
	[tilespmem:s13+$0xFFFFFF90] =	vst v1  }
0x167: {  	v1 =	vld [tilespmem:s24+$0x2200];
	_ =	sdelay $0x4  }
0x168: {  	[tilespmem:s13+$0x0] =	vst v1  }
0x169: {  	v1 =	vld [tilespmem:s24+$0x2210];
	_ =	sdelay $0x4  }
0x16a: {  	s25 =	sand.u32 $0x380, s18;
	[tilespmem:s13+$0x10] =	vst v1  }
0x16b: {  	v1 =	vld [tilespmem:s25+$0x2600];
	_ =	sdelay $0x4  }
0x16c: {  	[tilespmem:s13+$0x80] =	vst v1  }
0x16d: {  	v1 =	vld [tilespmem:s25+$0x2610];
	_ =	sdelay $0x4  }
0x16e: {  	s26 =	sand.u32 $0x380, s20;
	[tilespmem:s13+$0x90] =	vst v1  }
0x16f: {  	v1 =	vld [tilespmem:s26+$0x2A00];
	_ =	sdelay $0x4  }
0x170: {  	[tilespmem:s13+$0x100] =	vst v1  }
0x171: {  	v1 =	vld [tilespmem:s26+$0x2A10];
	_ =	sdelay $0x4  }
0x172: {  	s28 =	sand.u32 $0x380, s3;
	[tilespmem:s13+$0x110] =	vst v1  }
0x173: {  	v1 =	vld [tilespmem:s28+$0x2E00];
	_ =	sdelay $0x4  }
0x174: {  	[tilespmem:s13+$0x180] =	vst v1  }
0x175: {  	v1 =	vld [tilespmem:s28+$0x2E10];
	_ =	sdelay $0x4  }
0x176: {  	s29 =	sand.u32 $0x380, s16;
	[tilespmem:s13+$0x190] =	vst v1  }
0x177: {  	v1 =	vld [tilespmem:s29+$0x3200];
	_ =	sdelay $0x4  }
0x178: {  	[tilespmem:s13+$0x200] =	vst v1  }
0x179: {  	v1 =	vld [tilespmem:s29+$0x3210];
	_ =	sdelay $0x4  }
0x17a: {  	s30 =	sand.u32 $0x380, s17;
	[tilespmem:s13+$0x210] =	vst v1  }
0x17b: {  	v1 =	vld [tilespmem:s30+$0x3600];
	_ =	sdelay $0x4  }
0x17c: {  	[tilespmem:s13+$0x280] =	vst v1  }
0x17d: {  	v1 =	vld [tilespmem:s30+$0x3610];
	_ =	sdelay $0x4  }
0x17e: {  	s31 =	sand.u32 $0x380, s4;
	[tilespmem:s13+$0x290] =	vst v1  }
0x17f: {  	v1 =	vld [tilespmem:s31+$0x3A00];
	_ =	sdelay $0x4  }
0x180: {  	[tilespmem:s13+$0x300] =	vst v1  }
0x181: {  	v1 =	vld [tilespmem:s31+$0x3A10];
	_ =	sdelay $0x4  }
0x182: {  	s0 =	sand.u32 $0x380, s5;
	[tilespmem:s13+$0x310] =	vst v1  }
0x183: {  	p0 =	sne.s32 s15, $0x1C0;
	v1 =	vld [tilespmem:s0+$0x3E00]  }
.Ltmp0:
0x184: {  	_ = 	snop;
	(pc) =	sbr.rel @p0 .LBB2_3-.Ltmp0, $2  }
0x185: {  	_ =	sdelay $0x2  }
0x186: {  	s15 =	sadd.s32 $0x40, s15;
	s14 =	smov.u32 s13;
	[tilespmem:s13+$0x380] =	vst v1  }
0x187: {  	v0 =	vld [tilespmem:s0+$0x3E10];
	_ =	sdelay $0x1  }
0x188: {  	s4 =	rddreg [dreg:$0x18]  }
0x189: {  	s28 =	sshll.u32 s4, $0xB;
	s4 =	sadd.s32 $0x1, s4  }
0x18a: {  	s3 =	rddreg [dreg:$0x14];
	s29 =	simm.s32 $0x4200;
	p0 =	sne.s32 s4, $0x4  }
.Ltmp1:
0x18b: {  	s30 =	simm.s32 $0x2;
	s0 =	sadd.s32 s28, s3;
	[tilespmem:s14+$0x390] =	vst v0;
	(pc) =	sbr.rel @p0 .LBB2_2-.Ltmp1, $4  }
0x18c: {  	[hbm4b:s0+s1] =	stream.linear.scatter [tilespmem:s29], [sflag:$0x2], $0x4000, $0x38;
	[tilespmem:$0x8200] =	vst v63  }
0x18d: {  	_ =	swait.ge [sflag:s30], $0x4000  }
0x18e: {  	[sflag:s30] =	ssyncset.done $0x0;
	s31 =	rddreg [dreg:$0x17]  }
0x18f: {  	[sflag:s30] =	ssyncadd.s32 $0xFFFFC000;
	s0 =	sadd.s32 $0x80, s31  }
0x190: {  	s3 =	rddreg [dreg:$0x16]  }
0x191: {  	s0 =	rddreg [dreg:$0x15];
	s3 =	sadd.s32 $0x1, s3  }
0x192: {  	p0 =	sne.s32 s3, s0  }
.Ltmp2:
0x193: {  	_ = 	snop;
	(pc) =	sbr.rel @p0 .LBB2_1-.Ltmp2, $1  }
0x194: {  	_ =	sdelay $0x3  }
0x195: {  	_ =	sfence.sel $0x180000  }
0x196: {  	[bflag:$0x0] =	sbarrier.arrive $0xFFFF  }
0x197: {  	_ =	strace $0x9000004A  }
0x198: {  	s0 =	stileid.u32;
	[bflag:$0x2] =	sbarrier.arrive $0xFFFF  }
0x199: {  	p0 =	sne.s32 s0, $0x0;
	s0 =	rddreg [dreg:$0x2]  }
0x19a: {  	s0 =	sadd.s32 @!p0 $0x100000, s0  }
0x19b: {  	[sflag:s0] =	ssyncadd.tile.s32 @!p0 $0x1;
	_ =	shalt  }
.Lfunc_end2:
_tile_overlayer_lowered:
.L_overlay_start_2:
0x19c: {  	(tag) =	ssettag $0x2  }
0x19d: {  	s0 =	rddreg [dreg:$0x0];
	s2 =	stileid.u32  }
0x19e: {  	s1 =	rddreg [dreg:$0x1];
	p0 =	sne.s32 s2, $0x0  }
0x19f: {  	s3 =	rddreg [dreg:$0x2];
	[bflag:$0x3] =	sbarrier.arrive $0xFFFF;
	s2 =	simm.s32 @!p0 $0x1C02  }
0x1a0: {  	[timem:s3], [sflag:s2] =	dma.local @!p0 [hbm:s0], s1  }
0x1a1: {  	s0 =	simm.s32 @!p0 $0x2  }
0x1a2: {  	_ =	swait.ge @!p0 [sflag:s0], s1  }
0x1a3: {  	s1 =	ssub.s32 @!p0 $0x0, s1;
	[sflag:s0] =	ssyncset.done @!p0 $0x0  }
0x1a4: {  	[sflag:s0] =	ssyncadd.s32 @!p0 s1  }
0x1a5: {  	[bflag:$0x3] =	sbarrier.arrive $0xFFFF  }
0x1a6: {  	_ =	shalt  }

// kernel: kernel.7.cloned.1.call-start
scs
__scs_entry_jumppad:
0x0: {  	(pc) =	sbr.rel $0x88, $3  }
0x1: {  	(tag) =	ssettag $0x0;
	lr =	simm.s32 $0x1  }
0x2: {  	[smem:$0x3F9D] =	sst lr;
	_ =	strace $0xD0000000  }
0x3: {  	_ = 	snop  }
0x4: {  	_ = 	snop  }
0x5: {  	_ = 	snop  }
0x6: {  	_ = 	snop  }
0x7: {  	_ = 	snop  }
__scs_overlays_trampoline_lowered:
0x8: {  	[smem:$0x3FAC] =	sst s0  }
0x9: {  	[smem:$0x3FAD] =	sst s1  }
0xa: {  	[smem:$0x3FAE] =	sst s2  }
0xb: {  	[smem:$0x3FAF] =	sst s3  }
0xc: {  	[smem:$0x3FB0] =	sst s4  }
0xd: {  	[smem:$0x3FB1] =	sst s5  }
0xe: {  	[smem:$0x3FB2] =	sst s6  }
0xf: {  	[smem:$0x3FB3] =	sst s7  }
0x10: {  	[smem:$0x3FB4] =	sst s8  }
0x11: {  	[smem:$0x3FB5] =	sst s9;
	s0 =	simm.s32 @!p0 $0x0  }
0x12: {  	s1 =	sld [smem:$0x3F9B];
	s0 =	simm.s32 @p0 $0x1  }
0x13: {  	[smem:$0x3FB6] =	sst s0;
	s0 =	simm.s32 @!p1 $0x0  }
0x14: {  	s2 =	sld [smem:$0x3F9A];
	s0 =	simm.s32 @p1 $0x1  }
0x15: {  	[smem:$0x3FB7] =	sst s0;
	s0 =	simm.s32 @!p2 $0x0  }
0x16: {  	s3 =	sld [smem:$0x3FDB];
	s0 =	simm.s32 @p2 $0x1  }
0x17: {  	s4 =	simm.s32 $0x1BF5;
	[smem:$0x3FB9] =	sst s0  }
0x18: {  	s0 =	sld [smem:$0x3F9C];
	_ =	swait.ge [sflag:s4], $0x0  }
0x19: {  	s7 =	sld [smem:$0x3F9D]  }
0x1a: {  	s8 =	sadd.s32 $0xFFFFE003, lr  }
0x1b: {  	s9 =	sadd.s32 $0xFFFFFEF7, lr;
	s5 =	simm.s32 $0xFFFFFFFF;
	p2 =	slt.u32 s8, $0xFFFFF086  }
0x1c: {  	p1 =	slt.u32 s9, $0xF7A;
	s5 =	simm.s32 @!p2 $0x0  }
0x1d: {  	s5 =	simm.s32 @p1 $0x1;
	p0 =	seq.s32 s7, s2  }
0x1e: {  	s7 =	smul.u32 @!p0 $0xF7A, s2;
	p2 =	seq.s32 @!p0 s5, $0x0  }
0x1f: {  	s9 =	smul.u32 $0xF7A, s1;
	s8 =	simm.s32 @!p0 $0x1BF5;
	p2 =	por !p2, p0  }
0x20: {  	[sflag:s8] =	ssyncset.s32 @!p0 $0xFFFFF086;
	s6 =	sadd.s32 @!p0 s3, s7;
	s7 =	simm.s32 @!p0 $0x108  }
0x21: {  	s3 =	sadd.s32 s3, s9;
	s6 =	sadd.s32 @!p0 $0x88, s6;
	s7 =	simm.s32 @p2 $0x1082  }
0x22: {  	[simem:s7], [sflag:s8] =	dma.local @!p0 [hbm:s6], $0xF7A  }
0x23: {  	s9 =	sor.u32 $0xD0000000, s2;
	s6 =	simm.s32 $0x108;
	_ =	swait.ge @!p0 [sflag:s8], $0x0  }
0x24: {  	s3 =	sadd.s32 $0x88, s3;
	s6 =	simm.s32 @!p1 $0x1082;
	[sflag:s4] =	ssyncset.s32 $0xFFFFF086  }
0x25: {  	[simem:s6], [sflag:s4] =	dma.local [hbm:s3], $0xF7A  }
0x26: {  	[smem:$0x3F9D] =	sst s1;
	(tag) =	ssettag s2;
	_ =	strace s9  }
0x27: {  	s1 =	sld [smem:$0x3FAD]  }
0x28: {  	s2 =	sld [smem:$0x3FAE]  }
0x29: {  	s4 =	sld [smem:$0x3FB0]  }
0x2a: {  	p0 =	seq.s32 s5, $0x0;
	s5 =	sld [smem:$0x3FB1]  }
0x2b: {  	s6 =	sld [smem:$0x3FB2]  }
0x2c: {  	s7 =	sld [smem:$0x3FB3]  }
0x2d: {  	s3 =	simm.s32 $0x108;
	s8 =	sld [smem:$0x3FB4]  }
0x2e: {  	s3 =	simm.s32 @!p0 $0x1082;
	s9 =	sld [smem:$0x3FB5]  }
0x2f: {  	lr =	sadd.s32 s0, s3;
	s0 =	sld [smem:$0x3FAC]  }
0x30: {  	s3 =	sld [smem:$0x3FAF]  }
0x31: {  	[smem:$0x3FB8] =	sst s10  }
0x32: {  	s10 =	sld [smem:$0x3FB6];
	_ =	sdelay $0x3  }
0x33: {  	p0 =	seq.s32 s10, $0x1;
	s10 =	sld [smem:$0x3FB8];
	_ =	sdelay $0x3  }
0x34: {  	[smem:$0x3FB8] =	sst s10  }
0x35: {  	s10 =	sld [smem:$0x3FB7];
	_ =	sdelay $0x3  }
0x36: {  	p1 =	seq.s32 s10, $0x1;
	s10 =	sld [smem:$0x3FB8];
	_ =	sdelay $0x3  }
0x37: {  	[smem:$0x3FB8] =	sst s10  }
0x38: {  	s10 =	sld [smem:$0x3FB9]  }
0x39: {  	_ = 	snop;
	(pc) =	sbr.ind lr, $3  }
0x3a: {  	_ = 	snop  }
0x3b: {  	_ = 	snop  }
0x3c: {  	p2 =	seq.s32 s10, $0x1;
	s10 =	sld [smem:$0x3FB8]  }
0x3d: {  	_ =	shalt  }
0x3e: {  	_ =	shalt  }
0x3f: {  	_ =	shalt  }
0x40: {  	_ =	shalt  }
0x41: {  	_ =	shalt  }
0x42: {  	_ =	shalt  }
0x43: {  	_ =	shalt  }
0x44: {  	_ =	shalt  }
0x45: {  	_ =	shalt  }
0x46: {  	_ =	shalt  }
0x47: {  	_ =	shalt  }
0x48: {  	_ =	shalt  }
0x49: {  	_ =	shalt  }
0x4a: {  	_ =	shalt  }
0x4b: {  	_ =	shalt  }
0x4c: {  	_ =	shalt  }
0x4d: {  	_ =	shalt  }
0x4e: {  	_ =	shalt  }
0x4f: {  	_ =	shalt  }
0x50: {  	_ =	shalt  }
0x51: {  	_ =	shalt  }
0x52: {  	_ =	shalt  }
0x53: {  	_ =	shalt  }
0x54: {  	_ =	shalt  }
0x55: {  	_ =	shalt  }
0x56: {  	_ =	shalt  }
0x57: {  	_ =	shalt  }
0x58: {  	_ =	shalt  }
0x59: {  	_ =	shalt  }
0x5a: {  	_ =	shalt  }
0x5b: {  	_ =	shalt  }
0x5c: {  	_ =	shalt  }
0x5d: {  	_ =	shalt  }
0x5e: {  	_ =	shalt  }
0x5f: {  	_ =	shalt  }
0x60: {  	_ =	shalt  }
0x61: {  	_ =	shalt  }
0x62: {  	_ =	shalt  }
0x63: {  	_ =	shalt  }
0x64: {  	_ =	shalt  }
0x65: {  	_ =	shalt  }
0x66: {  	_ =	shalt  }
0x67: {  	_ =	shalt  }
0x68: {  	_ =	shalt  }
0x69: {  	_ =	shalt  }
0x6a: {  	_ =	shalt  }
0x6b: {  	_ =	shalt  }
0x6c: {  	_ =	shalt  }
0x6d: {  	_ =	shalt  }
0x6e: {  	_ =	shalt  }
0x6f: {  	_ =	shalt  }
0x70: {  	_ =	shalt  }
0x71: {  	_ =	shalt  }
0x72: {  	_ =	shalt  }
0x73: {  	_ =	shalt  }
0x74: {  	_ =	shalt  }
0x75: {  	_ =	shalt  }
0x76: {  	_ =	shalt  }
0x77: {  	_ =	shalt  }
0x78: {  	_ =	shalt  }
0x79: {  	_ =	shalt  }
0x7a: {  	_ =	shalt  }
0x7b: {  	_ =	shalt  }
0x7c: {  	_ =	shalt  }
0x7d: {  	_ =	shalt  }
0x7e: {  	_ =	shalt  }
0x7f: {  	_ =	shalt  }
0x80: {  	_ =	shalt  }
0x81: {  	_ =	shalt  }
0x82: {  	_ =	shalt  }
0x83: {  	_ =	shalt  }
0x84: {  	_ =	shalt  }
0x85: {  	_ =	shalt  }
0x86: {  	_ =	shalt  }
0x87: {  	_ =	shalt  }
.Lfunc_end0:
.L_simem_size_0:
called_computation.1_lowered:
.L_overlay_start_0:
0x88: {  	s2 =	sld [smem:$0x3FD9]  }
0x89: {  	s3 =	sld [smem:$0x3FFE];
	_ =	sdelay $0x1  }
0x8a: {  	s1 =	srdreg.scid  }
0x8b: {  	s0 =	sand.u32 $0x1, s1  }
0x8c: {  	s17 =	sshll.u32 s0, $0xA;
	s2 =	sadd.s32 s3, s2  }
0x8d: {  	s2 =	sadd.s32 s2, s17  }
0x8e: {  	[smem:$0x3FC4] =	sst s2  }
0x8f: {  	_ = 	snop  }
0x90: {  	s2 =	sld [smem:$0x3FD0];
	(tm) =	ssettm $0x1  }
0x91: {  	s18 =	sld [smem:$0x3FFB];
	_ =	sdelay $0x3  }
0x92: {  	_ =	strace s18  }
0x93: {  	s3 =	sld [smem:$0x3FFC];
	_ =	sdelay $0x3  }
0x94: {  	_ =	strace s3  }
0x95: {  	s3 =	sld [smem:$0x3FFD];
	_ =	sdelay $0x3  }
0x96: {  	_ =	strace s3  }
0x97: {  	_ =	strace $0x8FFFFFFF  }
0x98: {  	s19 =	sld [smem:$0x3FDB];
	_ =	sdelay $0x1  }
0x99: {  	s4 =	simm.s32 $_scs_section_size  }
0x9a: {  	s5 =	simm.s32 $_size__tile_overlayer_lowered;
	s6 =	simm.s32 $_tile_overlayer_lowered  }
0x9b: {  	s22 =	simm.s32 $0x1BFF;
	s21 =	sshll.u32 s6, $0x1;
	s3 =	sadd.s32 s4, s19  }
0x9c: {  	s7 =	simm.s32 $0x0;
	s20 =	sshll.u32 s5, $0x1;
	s5 =	sadd.s32 s21, s3  }
0x9d: {  	[timem:s7], [sflag:s22] =	dma.local [hbm:s5], s20  }
0x9e: {  	_ =	swait.ge [sflag:s22], s20  }
0x9f: {  	s4 =	ssub.s32 $0x0, s20;
	[sflag:s22] =	ssyncset.done $0x0  }
0xa0: {  	[sflag:s22] =	ssyncadd.s32 s4;
	_ =	sdelay $0x1  }
0xa1: {  	s23 =	simm.s32 $0x1B8B  }
0xa2: {  	_ =	swait.ge [sflag:s23], $0x1  }
0xa3: {  	[sflag:s23] =	ssyncset.done $0x0  }
0xa4: {  	s25 =	simm.s32 $0x1B8E;
	s24 =	sld [smem:$0x3FFE];
	[sflag:s23] =	ssyncadd.s32 $0xFFFFFFFF  }
0xa5: {  	s26 =	simm.s32 $execute0_lowered;
	[smem:$0x3FD2] =	sst s25  }
0xa6: {  	s5 =	sshll.u32 s26, $0x1;
	_ =	strace $0x80000046;
	[dreg:$0x1] =	wrdreg $0xFFFFFFFF  }
0xa7: {  	s28 =	simm.s32 $_size_execute0_lowered;
	s3 =	sadd.s32 s3, s5;
	[dreg:$0x0] =	wrdreg $0x0  }
0xa8: {  	s5 =	sshll.u32 s28, $0x1;
	[dreg:$0x2] =	wrdreg s3  }
0xa9: {  	[dreg:$0x3] =	wrdreg s5  }
0xaa: {  	[dreg:$0x4] =	wrdreg $0xC0  }
0xab: {  	_ =	task [dreg:s7], $0x5FFFF  }
0xac: {  	[dreg:$0x1] =	wrdreg $0xFFFFFFFF  }
0xad: {  	[dreg:$0x0] =	wrdreg $0x60  }
0xae: {  	[dreg:$0x2] =	wrdreg s24  }
0xaf: {  	[dreg:$0x3] =	wrdreg s2  }
0xb0: {  	[dreg:$0x4] =	wrdreg $0xA  }
0xb1: {  	_ =	task.clear_ibuf [dreg:s7], $0x5FFFF;
	_ =	strace $0x90000046  }
0xb2: {  	s29 =	simm.s32 $0xA;
	_ =	strace $0x80000048  }
0xb3: {  	_ =	swait.ge [sflag:s29], $0x1  }
0xb4: {  	[sflag:s29] =	ssyncadd.s32 $0xFFFFFFFF  }
0xb5: {  	_ =	strace $0x90000048  }
0xb6: {  	_ =	sfence  }
0xb7: {  	s30 =	sld [smem:$0x0];
	_ =	sdelay $0x2  }
0xb8: {  	s31 =	sshll.u32 s1, $0xD;
	s1 =	sshrl.u32 s1, $0x2  }
0xb9: {  	s3 =	sand.u32 $0x4000, s31;
	s1 =	sadd.s32 s1, s30  }
0xba: {  	s0 =	sor.u32 s3, s0;
	s1 =	sshll.u32 s1, $0x11  }
0xbb: {  	s0 =	sor.u32 s1, s0  }
0xbc: {  	s0 =	sadd.s32 $0x8F2B, s0  }
0xbd: {  	[sflag:s0] =	ssyncadd.remote.s32 $0x1  }
0xbe: {  	_ =	sfence.sel $0xFFFF  }
0xbf: {  	[dreg:$0x0] =	wrdreg $0xFFFFFFFF;
	(pc) =	sbr.abs _section_cstart, $3  }
0xc0: {  	[dreg:$0x1] =	wrdreg $0xFFFFFFFF  }
0xc1: {  	_ =	task.clear_ibuf [dreg:s7], $0x2FFFF;
	_ =	strace $0x9FFFFFFF  }
0xc2: {  	(tm) =	ssettm $0x7FFFFFFF  }
0xc3: {  	_ =	shalt  }
tec
execute0_lowered:
.L_overlay_start_1:
0x0: {  	(tag) =	ssettag $0x1  }
0x1: {  	s4 =	rddreg [dreg:$0x0];
	v0 =	vimm.s32 $0xEFCDAB89  }
0x2: {  	s6 =	rddreg [dreg:$0x1];
	v1 =	vimm.s32 $0x67452301;
	s1 =	simm.s32 $0x0;
	v3 =	vimm.s32 $0xDCFE98BA;
	v4 =	vimm.s32 $0xBA98FEDC  }
0x3: {  	s3 =	srdreg.scid;
	s2 =	stileid.u32;
	v5 =	vimm.s32 $0xFEDCBA98;
	s10 =	simm.s32 $0x80;
	v0 =	vunpack.c.l.s4.s8 v0;
	v1 =	vunpack.c.l.s4.s8 v1  }
0x4: {  	v2 =	vimm.f32 $0.0e+00;
	v6 =	vimm.s32 $0x32107654;
	v7 =	vimm.s32 $0x76543210;
	s11 =	simm.s32 $0x2A0;
	s12 =	simm.s32 $0x12A0;
	s13 =	simm.s32 $0x100  }
0x5: {  	s14 =	simm.s32 $0x22A0;
	s15 =	simm.s32 $0x180;
	s16 =	simm.s32 $0x32A0;
	v5 =	vunpack.c.l.s4.s8 v5;
	v0 =	vunpack.c.0.s8.s32 v0;
	v1 =	vunpack.c.0.s8.s32 v1  }
0x6: {  	s17 =	simm.s32 $0x200;
	s18 =	simm.s32 $0x42A0;
	s19 =	simm.s32 $0x1;
	v4 =	vunpack.c.l.s4.s8 v4;
	v6 =	vunpack.c.l.s4.s8 v6;
	v7 =	vunpack.c.l.s4.s8 v7  }
0x7: {  	s20 =	simm.s32 $0x52A0;
	s21 =	simm.s32 $0x0;
	[smem:$0x7FF] =	sst s1;
	v0 =	vcombine.low v1, v0;
	v1 =	vunpack.c.l.s4.s8 v3;
	v3 =	vimm.s32 $0x54761032  }
0x8: {  	vm0 =	vcmask $0xF00;
	s5 =	sand.u32 $0x1, s3;
	s7 =	sshll.u32 s2, $0x1;
	s3 =	sadd.s32 $0xA00, s4;
	v5 =	vunpack.c.0.s8.s32 v5;
	v3 =	vunpack.c.l.s4.s8 v3  }
0x9: {  	s4 =	sadd.s32 $0xAA00, s4;
	s8 =	ssub.s32 $0x2, s5;
	s5 =	sor.u32 s5, s7;
	v4 =	vunpack.c.0.s8.s32 v4;
	v6 =	vunpack.c.0.s8.s32 v6;
	v7 =	vunpack.c.0.s8.s32 v7  }
0xa: {  	_ =	strace $0x80000047;
	s31 =	sshrl.u32 s8, $0x1;
	s9 =	sshll.u32 s5, $0xB;
	v5 =	vand.u32 $0xF, v5;
	v1 =	vunpack.c.0.s8.s32 v1;
	v3 =	vunpack.c.0.s8.s32 v3  }
0xb: {  	v2 =	vsel vm0, $0x3F800000, v2;
	s5 =	smul.u32 $0x2800, s5;
	s7 =	ssub.s32 s8, s31;
	s6 =	sadd.s32 s6, s9;
	v5 =	vcombine.low v5, v7  }
0xc: {  	s8 =	simm.s32 $0x92A0;
	s9 =	simm.s32 $0x2;
	s7 =	smax.u32 s7, $0x1;
	v1 =	vcombine.low v3, v1;
	v3 =	vcombine.low v6, v4;
	v4 =	vimm.f32 $1.000000000e+00  }
.LBB2_1:
0xd: {  	[tilespmem:s8], [sflag:$0x2] =	stream.linear.gather [hbm4b:s4+s1], $0x20, $0x38;
	[tilespmem:$0x92C0] =	vst v63  }
0xe: {  	_ =	swait.ge [sflag:s9], $0x20  }
0xf: {  	[sflag:s9] =	ssyncset.done $0x0  }
0x10: {  	s22 =	simm.s32 $0x52B0;
	s23 =	simm.s32 $0x0;
	[sflag:s9] =	ssyncadd.s32 $0xFFFFFFE0  }
.LBB2_2:
0x11: {  	s24 =	smul.u32 $0x280, s23;
	_ =	sdelay $0x1  }
0x12: {  	s24 =	sadd.s32 s5, s24  }
0x13: {  	s24 =	sshrl.u32 s24, $0x3  }
0x14: {  	s25 =	sadd.s32 s3, s24;
	s24 =	simm.s32 $0x0  }
0x15: {  	[tilespmem:s24], [sflag:$0x2] =	stream.linear.gather [hbm4b:s25+s24], $0x280, $0x38;
	[tilespmem:$0x92C0] =	vst v63  }
0x16: {  	_ =	swait.ge [sflag:s9], $0x280  }
0x17: {  	[sflag:s9] =	ssyncset.done $0x0  }
0x18: {  	[sflag:s9] =	ssyncadd.s32 $0xFFFFFD80  }
0x19: {  	[tilespmem:s11], [sflag:$0x1] =	stream.indirect.gather [hbm4b:s4+s10], $0x20, s24, s10, $0xb8;
	[tilespmem:$0x92C0] =	vst v63  }
0x1a: {  	_ = 	snop  }
0x1b: {  	[tilespmem:s12], [sflag:$0x1] =	stream.indirect.gather [hbm4b:s4+s10], $0x20, s10, s10, $0xb8;
	[tilespmem:$0x92C0] =	vst v63  }
0x1c: {  	_ = 	snop  }
0x1d: {  	[tilespmem:s14], [sflag:$0x1] =	stream.indirect.gather [hbm4b:s4+s10], $0x20, s13, s10, $0xb8;
	[tilespmem:$0x92C0] =	vst v63  }
0x1e: {  	_ = 	snop  }
0x1f: {  	[tilespmem:s16], [sflag:$0x1] =	stream.indirect.gather [hbm4b:s4+s10], $0x20, s15, s10, $0xb8;
	[tilespmem:$0x92C0] =	vst v63  }
0x20: {  	_ = 	snop  }
0x21: {  	[tilespmem:s18], [sflag:$0x1] =	stream.indirect.gather [hbm4b:s4+s10], $0x20, s17, s10, $0xb8;
	[tilespmem:$0x92C0] =	vst v63  }
0x22: {  	_ =	swait.ge [sflag:s19], $0x1000  }
0x23: {  	[sflag:s19] =	ssyncset.done $0x0  }
0x24: {  	[sflag:s19] =	ssyncadd.s32 $0xFFFFF000  }
0x25: {  	_ =	swait.ge [sflag:s19], $0x1000  }
0x26: {  	[sflag:s19] =	ssyncset.done $0x0  }
0x27: {  	[sflag:s19] =	ssyncadd.s32 $0xFFFFF000  }
0x28: {  	_ =	swait.ge [sflag:s19], $0x1000  }
0x29: {  	[sflag:s19] =	ssyncset.done $0x0  }
0x2a: {  	[sflag:s19] =	ssyncadd.s32 $0xFFFFF000  }
0x2b: {  	_ =	swait.ge [sflag:s19], $0x1000  }
0x2c: {  	[sflag:s19] =	ssyncset.done $0x0  }
0x2d: {  	[sflag:s19] =	ssyncadd.s32 $0xFFFFF000  }
0x2e: {  	_ =	swait.ge [sflag:s19], $0x1000  }
0x2f: {  	[sflag:s19] =	ssyncset.done $0x0  }
0x30: {  	[sflag:s19] =	ssyncadd.s32 $0xFFFFF000  }
0x31: {  	s31 =	simm.s32 $0x3E0;
	v6 =	vld [tilespmem:$0x92B0]  }
0x32: {  	v7 =	vld [tilespmem:s31+$0xFFFFFF10]  }
0x33: {  	v8 =	vld [tilespmem:s31+$0xFFFFFF70]  }
0x34: {  	v9 =	vld [tilespmem:s31+$0xFFFFFEF0]  }
0x35: {  	v10 =	vld [tilespmem:s31+$0xFFFFFEE0]  }
0x36: {  	v11 =	vld [tilespmem:s31+$0xFFFFFED0]  }
0x37: {  	v12 =	vld [tilespmem:s31+$0xFFFFFEC0]  }
0x38: {  	v13 =	vld [tilespmem:s31+$0xFFFFFF30]  }
0x39: {  	v14 =	vld [tilespmem:s31+$0xFFFFFF00]  }
0x3a: {  	v15 =	vld [tilespmem:s31+$0xFFFFFF50]  }
0x3b: {  	v9 =	vadd.f32 v9, v11;
	v11 =	vld [tilespmem:s31+$0xFFFFFF20]  }
0x3c: {  	s26 =	simm.s32 $0x10;
	s28 =	simm.s32 $0x0;
	v36 =	vld [tilespmem:s31+$0xFFFFFF40];
	v10 =	vadd.f32 v10, v12  }
0x3d: {  	s26 =	sand.u32 $0x7F8, s26;
	s28 =	sand.u32 $0x4, s28;
	v37 =	vld [tilespmem:s24+$0x0];
	v7 =	vadd.f32 v7, v9  }
0x3e: {  	s26 =	sor.u32 s28, s26;
	v38 =	vld [tilespmem:s31+$0xFFFFFF60];
	v10 =	vadd.f32 v14, v10  }
0x3f: {  	v9 =	vld [tilespmem:s26+$0x0];
	v7 =	vadd.f32 v13, v7  }
0x40: {  	v10 =	vadd.f32 v11, v10;
	v11 =	vld [tilespmem:s31+$0xFFFFFF90]  }
0x41: {  	v39 =	vld [tilespmem:s31+$0xFFFFFF80];
	v7 =	vadd.f32 v15, v7  }
0x42: {  	v40 =	vld [tilespmem:s31+$0xFFFFFFB0];
	v10 =	vadd.f32 v36, v10  }
0x43: {  	v7 =	vadd.f32 v8, v7;
	v8 =	vld [tilespmem:s31+$0xFFFFFFA0]  }
0x44: {  	vm1 =	veq.s32 v37, $0x0;
	vm0 =	veq.s32 v9, $0x0;
	v9 =	vadd.f32 v38, v10;
	v10 =	vld [tilespmem:s31+$0xFFFFFFD0]  }
0x45: {  	v43 =	vld [tilespmem:s31+$0xFFFFFFF0];
	v41 =	vsel vm1, $0x0, v4;
	v42 =	vsel vm0, $0x0, v2;
	v7 =	vadd.f32 v11, v7  }
0x46: {  	v13 =	vadd.f32 v42, v41;
	v11 =	vld [tilespmem:s31+$0xFFFFFFC0]  }
0x47: {  	v44 =	vld [tilespmem:s31+$0xFFFFFFE0];
	v9 =	vadd.f32 v39, v9;
	v7 =	vadd.f32 v40, v7  }
0x48: {  	v16 =	vld [tilespmem:s31+$0x10];
	v45 =	vperm.xlane v13, v0  }
0x49: {  	v46 =	vld [tilespmem:s31+$0x30];
	v8 =	vadd.f32 v8, v9;
	v7 =	vadd.f32 v10, v7  }
0x4a: {  	v9 =	vld [tilespmem:s31+$0x0];
	v10 =	vadd.f32 v13, v45  }
0x4b: {  	v48 =	vld [tilespmem:s31+$0x50];
	v8 =	vadd.f32 v11, v8;
	v7 =	vadd.f32 v43, v7  }
0x4c: {  	v11 =	vld [tilespmem:s31+$0x20];
	v47 =	vperm.xlane v10, v1  }
0x4d: {  	v49 =	vld [tilespmem:s31+$0x40];
	v8 =	vadd.f32 v44, v8;
	v7 =	vadd.f32 v16, v7  }
0x4e: {  	v50 =	vld [tilespmem:s31+$0x70];
	v10 =	vadd.f32 v10, v47  }
0x4f: {  	v52 =	vld [tilespmem:s31+$0x90];
	v8 =	vadd.f32 v9, v8;
	v7 =	vadd.f32 v46, v7  }
0x50: {  	v9 =	vld [tilespmem:s31+$0x60];
	v51 =	vperm.xlane v10, v3  }
0x51: {  	v53 =	vld [tilespmem:s31+$0xB0];
	v8 =	vadd.f32 v11, v8;
	v7 =	vadd.f32 v48, v7  }
0x52: {  	v11 =	vld [tilespmem:s31+$0x80];
	v10 =	vadd.f32 v10, v51  }
0x53: {  	v54 =	vld [tilespmem:s31+$0xA0];
	v8 =	vadd.f32 v49, v8;
	v7 =	vadd.f32 v50, v7  }
0x54: {  	v56 =	vld [tilespmem:s31+$0xD0];
	v55 =	vperm.xlane v10, v5  }
0x55: {  	v57 =	vld [tilespmem:s31+$0xF0];
	v8 =	vadd.f32 v9, v8;
	v7 =	vadd.f32 v52, v7  }
0x56: {  	v9 =	vld [tilespmem:s31+$0xC0];
	v10 =	vadd.f32 v10, v55  }
0x57: {  	v59 =	vld [tilespmem:s31+$0x110];
	v8 =	vadd.f32 v11, v8;
	v7 =	vadd.f32 v53, v7  }
0x58: {  	v11 =	vld [tilespmem:s31+$0xE0];
	v58 =	vmax.f32 v10, $1.000000000e+00  }
0x59: {  	v61 =	vld [tilespmem:s31+$0x100];
	v8 =	vadd.f32 v54, v8;
	(erf) = vrcp.f32 v58;
	v60 =	vadd.f32 v56, v7  }
0x5a: {  	v62 =	vld [tilespmem:s31+$0x130]  }
0x5b: {  	v63 =	vld [tilespmem:s31+$0x120];
	v8 =	vadd.f32 v9, v8;
	v9 =	vadd.f32 v57, v60  }
0x5c: {  	v10 =	vsub.f32 $2.000000000e+01, v10;
	v7 =	vld [tilespmem:$0x92A0]  }
0x5d: {  	v8 =	vadd.f32 v11, v8;
	v9 =	vadd.f32 v59, v9  }
0x5e: {  	v11 =	vmul.f32 v10, v6  }
0x5f: {  	v8 =	vadd.f32 v61, v8;
	v9 =	vadd.f32 v62, v9;
	_ =	sdelay $0x1  }
0x60: {  	v10 =	vmul.f32 v10, v7;
	v8 =	vadd.f32 v63, v8;
	v9 =	vsub.f32 v9, v11  }
0x61: {  	v11 =	vpop (erf)  }
0x62: {  	v8 =	vsub.f32 v8, v10;
	v9 =	vmul.f32 v9, v11  }
0x63: {  	s30 =	simm.s32 $0x24  }
0x64: {  	s28 =	smov.u32 s22;
	s25 =	sadd.s32 $0x20, s22;
	s26 =	simm.s32 $0x660;
	v8 =	vmul.f32 v8, v11;
	[tilespmem:s22+$0x0] =	vst v9  }
.LBB2_3:
0x65: {  	s31 =	sadd.s32 $0xFFFFFFF0, s30;
	s24 =	sadd.s32 $0x14, s24  }
0x66: {  	[tilespmem:s28+$0xFFFFFFF0] =	vst v8;
	s0 =	smov.u32 s30;
	s29 =	sadd.s32 $0x14, s30;
	s28 =	smov.u32 s25  }
0x67: {  	p0 =	sne.s32 s30, $0x27C;
	v8 =	vld [tilespmem:s26+$0xFFFFFF10];
	s0 =	sand.u32 $0x7F8, s0;
	s31 =	sand.u32 $0x4, s31  }
0x68: {  	v9 =	vld [tilespmem:s26+$0xFFFFFF70];
	s0 =	sor.u32 s31, s0  }
0x69: {  	v10 =	vld [tilespmem:s26+$0xFFFFFEF0]  }
0x6a: {  	v11 =	vld [tilespmem:s26+$0xFFFFFEE0]  }
0x6b: {  	v12 =	vld [tilespmem:s26+$0xFFFFFED0]  }
0x6c: {  	v13 =	vld [tilespmem:s26+$0xFFFFFEC0]  }
0x6d: {  	v14 =	vld [tilespmem:s26+$0xFFFFFF30]  }
0x6e: {  	v15 =	vld [tilespmem:s26+$0xFFFFFF00]  }
0x6f: {  	v16 =	vld [tilespmem:s26+$0xFFFFFF50]  }
0x70: {  	v10 =	vadd.f32 v10, v12;
	v12 =	vld [tilespmem:s26+$0xFFFFFF20]  }
0x71: {  	v11 =	vadd.f32 v11, v13;
	v13 =	vld [tilespmem:s26+$0xFFFFFF40]  }
0x72: {  	v8 =	vadd.f32 v8, v10;
	v10 =	vld [tilespmem:s0+$0x0]  }
0x73: {  	v11 =	vadd.f32 v15, v11;
	v15 =	vld [tilespmem:s24+$0x0]  }
0x74: {  	v8 =	vadd.f32 v14, v8;
	v14 =	vld [tilespmem:s26+$0xFFFFFF60]  }
0x75: {  	v11 =	vadd.f32 v12, v11;
	v12 =	vld [tilespmem:s26+$0xFFFFFF90]  }
0x76: {  	v8 =	vadd.f32 v16, v8;
	v16 =	vld [tilespmem:s26+$0xFFFFFF80]  }
0x77: {  	v11 =	vadd.f32 v13, v11;
	v13 =	vld [tilespmem:s26+$0xFFFFFFB0];
	vm0 =	veq.s32 v10, $0x0  }
0x78: {  	v8 =	vadd.f32 v9, v8;
	v9 =	vld [tilespmem:s26+$0xFFFFFFA0];
	vm1 =	veq.s32 v15, $0x0  }
0x79: {  	v15 =	vsel vm0, $0x0, v2;
	v10 =	vadd.f32 v14, v11;
	v11 =	vld [tilespmem:s26+$0xFFFFFFD0];
	v14 =	vsel vm1, $0x0, v4  }
0x7a: {  	v8 =	vadd.f32 v12, v8;
	v12 =	vld [tilespmem:s26+$0xFFFFFFC0];
	v14 =	vadd.f32 v15, v14  }
0x7b: {  	v10 =	vadd.f32 v16, v10;
	v15 =	vld [tilespmem:s26+$0xFFFFFFF0]  }
0x7c: {  	v8 =	vadd.f32 v13, v8;
	v13 =	vld [tilespmem:s26+$0xFFFFFFE0];
	v16 =	vperm.xlane v14, v0  }
0x7d: {  	v9 =	vadd.f32 v9, v10;
	v10 =	vld [tilespmem:s26+$0x10]  }
0x7e: {  	v8 =	vadd.f32 v11, v8;
	v11 =	vld [tilespmem:s26+$0x0];
	v14 =	vadd.f32 v14, v16  }
0x7f: {  	v9 =	vadd.f32 v12, v9;
	v12 =	vld [tilespmem:s26+$0x30]  }
0x80: {  	v8 =	vadd.f32 v15, v8;
	v15 =	vld [tilespmem:s26+$0x20];
	v16 =	vperm.xlane v14, v1  }
0x81: {  	v9 =	vadd.f32 v13, v9;
	v13 =	vld [tilespmem:s26+$0x50]  }
0x82: {  	v8 =	vadd.f32 v10, v8;
	v10 =	vld [tilespmem:s26+$0x40];
	v14 =	vadd.f32 v14, v16  }
0x83: {  	v9 =	vadd.f32 v11, v9;
	v11 =	vld [tilespmem:s26+$0x70]  }
0x84: {  	v8 =	vadd.f32 v12, v8;
	v12 =	vld [tilespmem:s26+$0x60];
	v16 =	vperm.xlane v14, v3  }
0x85: {  	v9 =	vadd.f32 v15, v9;
	v15 =	vld [tilespmem:s26+$0x90]  }
0x86: {  	v8 =	vadd.f32 v13, v8;
	v13 =	vld [tilespmem:s26+$0x80];
	v14 =	vadd.f32 v14, v16  }
0x87: {  	v9 =	vadd.f32 v10, v9;
	v10 =	vld [tilespmem:s26+$0xB0]  }
0x88: {  	v8 =	vadd.f32 v11, v8;
	v11 =	vld [tilespmem:s26+$0xA0];
	v16 =	vperm.xlane v14, v5  }
0x89: {  	v9 =	vadd.f32 v12, v9;
	v12 =	vld [tilespmem:s26+$0xD0]  }
0x8a: {  	v8 =	vadd.f32 v15, v8;
	v15 =	vld [tilespmem:s26+$0xC0];
	v14 =	vadd.f32 v14, v16  }
0x8b: {  	v9 =	vadd.f32 v13, v9;
	v13 =	vld [tilespmem:s26+$0xF0]  }
0x8c: {  	v8 =	vadd.f32 v10, v8;
	v10 =	vld [tilespmem:s26+$0xE0];
	v16 =	vsub.f32 $2.000000000e+01, v14;
	v14 =	vmax.f32 v14, $1.000000000e+00  }
0x8d: {  	v9 =	vadd.f32 v11, v9;
	v11 =	vld [tilespmem:s26+$0x110]  }
0x8e: {  	v8 =	vadd.f32 v12, v8;
	v12 =	vld [tilespmem:s26+$0x100];
	(erf) = vrcp.f32 v14  }
0x8f: {  	v9 =	vadd.f32 v15, v9;
	v14 =	vld [tilespmem:s26+$0x130]  }
0x90: {  	v8 =	vadd.f32 v13, v8;
	v13 =	vld [tilespmem:s26+$0x120]  }
0x91: {  	v9 =	vadd.f32 v10, v9  }
0x92: {  	v8 =	vadd.f32 v11, v8  }
0x93: {  	v9 =	vadd.f32 v12, v9  }
0x94: {  	v12 =	vmul.f32 v16, v6;
	v8 =	vadd.f32 v14, v8  }
0x95: {  	v11 =	vmul.f32 v16, v7;
	v9 =	vadd.f32 v13, v9  }
.Ltmp0:
0x96: {  	v8 =	vsub.f32 v8, v12;
	(pc) =	sbr.rel @p0 .LBB2_3-.Ltmp0, $4  }
0x97: {  	v9 =	vsub.f32 v9, v11;
	v10 =	vpop (erf)  }
0x98: {  	v11 =	vmul.f32 v8, v10  }
0x99: {  	v8 =	vmul.f32 v9, v10  }
0x9a: {  	s25 =	sadd.s32 $0x20, s25;
	s30 =	smov.u32 s29;
	s26 =	sadd.s32 $0x280, s26;
	[tilespmem:s28+$0x0] =	vst v11  }
0x9b: {  	s23 =	sadd.s32 $0x1, s23  }
0x9c: {  	p0 =	sne.s32 s23, $0x10  }
.Ltmp1:
0x9d: {  	_ = 	snop;
	(pc) =	sbr.rel @p0 .LBB2_2-.Ltmp1, $2  }
0x9e: {  	_ =	sdelay $0x2  }
0x9f: {  	[tilespmem:s28+$0xFFFFFFF0] =	vst v8;
	s22 =	sadd.s32 $0x400, s22  }
0xa0: {  	s21 =	sadd.s32 $0x1, s21  }
0xa1: {  	p0 =	sne.s32 s21, s7  }
.Ltmp2:
0xa2: {  	_ = 	snop;
	(pc) =	sbr.rel @p0 .LBB2_1-.Ltmp2, $4  }
0xa3: {  	[hbm4b:s6+s1] =	stream.linear.scatter [tilespmem:s20], [sflag:$0x2], $0x4000, $0x38;
	[tilespmem:$0x92C0] =	vst v63  }
0xa4: {  	_ =	swait.ge [sflag:s9], $0x4000  }
0xa5: {  	[sflag:s9] =	ssyncset.done $0x0  }
0xa6: {  	[sflag:s9] =	ssyncadd.s32 $0xFFFFC000  }
0xa7: {  	_ =	sfence.sel $0x180000  }
0xa8: {  	[bflag:$0x0] =	sbarrier.arrive $0xFFFF  }
0xa9: {  	_ =	strace $0x90000047  }
0xaa: {  	[bflag:$0x2] =	sbarrier.arrive $0xFFFF  }
0xab: {  	p0 =	sne.s32 s2, $0x0;
	s0 =	rddreg [dreg:$0x2]  }
0xac: {  	s0 =	sadd.s32 @!p0 $0x100000, s0  }
0xad: {  	[sflag:s0] =	ssyncadd.tile.s32 @!p0 $0x1;
	_ =	shalt  }
.Lfunc_end2:
_tile_overlayer_lowered:
.L_overlay_start_2:
0xae: {  	(tag) =	ssettag $0x2  }
0xaf: {  	s0 =	rddreg [dreg:$0x0];
	s2 =	stileid.u32  }
0xb0: {  	s1 =	rddreg [dreg:$0x1];
	p0 =	sne.s32 s2, $0x0  }
0xb1: {  	s3 =	rddreg [dreg:$0x2];
	[bflag:$0x3] =	sbarrier.arrive $0xFFFF;
	s2 =	simm.s32 @!p0 $0x1C02  }
0xb2: {  	[timem:s3], [sflag:s2] =	dma.local @!p0 [hbm:s0], s1  }
0xb3: {  	s0 =	simm.s32 @!p0 $0x2  }
0xb4: {  	_ =	swait.ge @!p0 [sflag:s0], s1  }
0xb5: {  	s1 =	ssub.s32 @!p0 $0x0, s1;
	[sflag:s0] =	ssyncset.done @!p0 $0x0  }
0xb6: {  	[sflag:s0] =	ssyncadd.s32 @!p0 s1  }
0xb7: {  	[bflag:$0x3] =	sbarrier.arrive $0xFFFF  }
0xb8: {  	_ =	shalt  }

</sc_bundles>
